<compile_context>
chip_gen: v7x
topology: tpu7x:2x2x1
jax: 0.10.2.dev20260603
libtpu: 0.0.44.dev20260713+nightly
codegen_flags: <defaults>
</compile_context>

<pallas_src>
import functools

import jax
import jax.numpy as jnp
from jax import lax
from jax.experimental import pallas as pl
from jax.experimental.pallas import tpu as pltpu
from jax.experimental.pallas import tpu_sc as plsc

P_NODES = 8192
A_NODES = 8192
NG = 262144
NCORR = 131072

NUM_SC = 2
NUM_SUBCORES = 16
NW = NUM_SC * NUM_SUBCORES
LANES = 16

MAP_SIZE = P_NODES * A_NODES
MEMSET_CHUNK = 1 << 22
MAP_PAD = MAP_SIZE + MEMSET_CHUNK
TRASH = MAP_SIZE

G_PER_W = NG // NW
G_ROWS = G_PER_W // 128
Q_PER_W = NCORR // NW
Q_ROWS = Q_PER_W // 128

ACCEPTANCE_OVERLAP = 0.1
ACCEPTANCE_RADIUS = 0.1
RRE_THRESHOLD = 15.0
RTE_THRESHOLD = 0.3

_SC_MESH = plsc.VectorSubcoreMesh(
    core_axis_name="c", subcore_axis_name="s",
    num_cores=NUM_SC, num_subcores=NUM_SUBCORES)


def _memset_body(o_ref):
    o_ref[...] = jnp.zeros_like(o_ref)


_zero_map = pl.pallas_call(
    _memset_body,
    grid=(MAP_PAD // MEMSET_CHUNK,),
    out_specs=pl.BlockSpec((MEMSET_CHUNK,), lambda i: (i,)),
    out_shape=jax.ShapeDtypeStruct((MAP_PAD,), jnp.float32),
)


@functools.partial(
    pl.kernel,
    out_type=jax.ShapeDtypeStruct((NW * LANES,), jnp.float32),
    mesh=_SC_MESH,
    scratch_types=[
        pltpu.VMEM((G_PER_W,), jnp.int32),
        pltpu.VMEM((G_PER_W,), jnp.int32),
        pltpu.VMEM((G_PER_W,), jnp.float32),
        pltpu.VMEM((G_ROWS, 128), jnp.int32),
        pltpu.VMEM((128,), jnp.float32),
        pltpu.VMEM((LANES,), jnp.float32),
        pltpu.SemaphoreType.DMA,
    ],
    compiler_params=pltpu.CompilerParams(has_side_effects=True),
)
def _sc_scatter(gt_pos_hbm, gt_anc_hbm, ov_hbm, map_hbm, tok_hbm,
                posv, ancv, ovv, keys2d, ones_v, tokv, sem):
    wid = lax.axis_index("s") * NUM_SC + lax.axis_index("c")
    base = wid * G_PER_W
    pltpu.sync_copy(gt_pos_hbm.at[pl.ds(base, G_PER_W)], posv)
    pltpu.sync_copy(gt_anc_hbm.at[pl.ds(base, G_PER_W)], ancv)
    pltpu.sync_copy(ov_hbm.at[pl.ds(base, G_PER_W)], ovv)


    lane_iota = lax.iota(jnp.int32, LANES)
    for c in range(8):
        ones_v[pl.ds(c * LANES, LANES)] = jnp.full((LANES,), 1.0, jnp.float32)

    def key_row(j, carry):
        for c in range(8):
            off = j * 128 + c * LANES
            p = posv[pl.ds(off, LANES)]
            a = ancv[pl.ds(off, LANES)]
            o = ovv[pl.ds(off, LANES)]
            trash = (TRASH + base + off) + lane_iota
            key = jnp.where(o > ACCEPTANCE_OVERLAP, p * A_NODES + a, trash)
            keys2d[j, pl.ds(c * LANES, LANES)] = key
        return carry

    lax.fori_loop(0, G_ROWS, key_row, 0)

    def issue(j, carry):
        pltpu.async_copy(ones_v, map_hbm.at[keys2d.at[j]], sem)
        return carry

    lax.fori_loop(0, G_ROWS, issue, 0)

    def drain(j, carry):
        pltpu.make_async_copy(ones_v, map_hbm.at[keys2d.at[0]], sem).wait()
        return carry

    lax.fori_loop(0, G_ROWS, drain, 0)

    tokv[...] = jnp.full((LANES,), 1.0, jnp.float32)
    pltpu.sync_copy(tokv, tok_hbm.at[pl.ds(wid * LANES, LANES)])


@functools.partial(
    pl.kernel,
    out_type=jax.ShapeDtypeStruct((NW * LANES,), jnp.float32),
    mesh=_SC_MESH,
    scratch_types=[
        pltpu.VMEM((Q_PER_W,), jnp.int32),
        pltpu.VMEM((Q_PER_W,), jnp.int32),
        pltpu.VMEM((Q_PER_W,), jnp.int32),
        pltpu.VMEM((Q_PER_W,), jnp.float32),
        pltpu.VMEM((LANES,), jnp.float32),
        pltpu.SemaphoreType.DMA,
    ],
)
def _sc_gather(map_hbm, qpos_hbm, qanc_hbm, tok_hbm, out_hbm,
               pidx, aidx, qkeys, vals, accv, sem):
    wid = lax.axis_index("s") * NUM_SC + lax.axis_index("c")
    base = wid * Q_PER_W
    pltpu.sync_copy(qpos_hbm.at[pl.ds(base, Q_PER_W)], pidx)
    pltpu.sync_copy(qanc_hbm.at[pl.ds(base, Q_PER_W)], aidx)

    def key_step(i, carry):
        off = i * LANES
        q = pidx[pl.ds(off, LANES)] * A_NODES + aidx[pl.ds(off, LANES)]
        qkeys[pl.ds(off, LANES)] = q
        return carry

    lax.fori_loop(0, Q_PER_W // LANES, key_step, 0)

    def issue(j, carry):
        pltpu.async_copy(map_hbm.at[qkeys.at[pl.ds(j * 128, 128)]],
                         vals.at[pl.ds(j * 128, 128)], sem)
        return carry

    lax.fori_loop(0, Q_ROWS, issue, 0)

    def drain(j, carry):
        pltpu.make_async_copy(map_hbm.at[qkeys.at[pl.ds(0, 128)]],
                              vals.at[pl.ds(0, 128)], sem).wait()
        return carry

    lax.fori_loop(0, Q_ROWS, drain, 0)

    def acc_step(i, acc):
        return acc + vals[pl.ds(i * LANES, LANES)]

    acc = lax.fori_loop(0, Q_PER_W // LANES, acc_step,
                        jnp.zeros((LANES,), jnp.float32))
    accv[...] = acc
    pltpu.sync_copy(accv, out_hbm.at[pl.ds(wid * LANES, LANES)])


_FINE_CHUNK = 16384
_FINE_STEPS = NCORR // _FINE_CHUNK


def _finalize_body(pos_ref, anc_ref, t_ref, e_ref,
                   f_ref, rre_ref, rte_ref, rec_ref):
    i = pl.program_id(0)

    tb = t_ref[...]
    rb = tb.astype(jnp.bfloat16).astype(jnp.float32)

    def b16(v):
        return v.astype(jnp.bfloat16).astype(jnp.float32)

    ax = b16(anc_ref[0, :])
    ay = b16(anc_ref[1, :])
    az = b16(anc_ref[2, :])
    wx = rb[0, 0] * ax + rb[0, 1] * ay + rb[0, 2] * az + tb[0, 3]
    wy = rb[1, 0] * ax + rb[1, 1] * ay + rb[1, 2] * az + tb[1, 3]
    wz = rb[2, 0] * ax + rb[2, 1] * ay + rb[2, 2] * az + tb[2, 3]
    dx = pos_ref[0, :] - wx
    dy = pos_ref[1, :] - wy
    dz = pos_ref[2, :] - wz
    dist = jnp.sqrt(dx * dx + dy * dy + dz * dz)
    cnt = jnp.sum((dist < ACCEPTANCE_RADIUS).astype(jnp.float32))

    @pl.when(i == 0)
    def _():
        f_ref[...] = jnp.zeros((1, 1), jnp.float32)
        eb = e_ref[...]
        ebb = eb.astype(jnp.bfloat16).astype(jnp.float32)
        pr = rb * ebb
        d0 = (pr[0, 0] + pr[1, 0]) + pr[2, 0]
        d1 = (pr[0, 1] + pr[1, 1]) + pr[2, 1]
        d2 = (pr[0, 2] + pr[1, 2]) + pr[2, 2]
        tr = (d0 + d1) + d2
        x = jnp.clip(0.5 * (tr - 1.0), -1.0, 1.0)
        rre = jnp.where(
            x == -1.0,
            180.0,
            2.0 * jnp.arctan2(jnp.sqrt(jnp.maximum(1.0 - x * x, 0.0)),
                              1.0 + x) * (180.0 / jnp.pi))
        dt = tb[:3, 3] - eb[:3, 3]
        rte = jnp.sqrt(jnp.sum(dt * dt))
        rre_ref[...] = jnp.full((1, 1), rre)
        rte_ref[...] = jnp.full((1, 1), rte)
        rec_ref[...] = jnp.where(
            jnp.logical_and(rre < RRE_THRESHOLD, rte < RTE_THRESHOLD),
            jnp.ones((1, 1), jnp.float32), jnp.zeros((1, 1), jnp.float32))

    f_ref[...] = f_ref[...] + cnt

    @pl.when(i == pl.num_programs(0) - 1)
    def _():
        f_ref[...] = f_ref[...] * (1.0 / NCORR)


_scalar_spec = pl.BlockSpec((1, 1), lambda i: (0, 0))
_finalize = pl.pallas_call(
    _finalize_body,
    grid=(_FINE_STEPS,),
    in_specs=[
        pl.BlockSpec((3, _FINE_CHUNK), lambda i: (0, i)),
        pl.BlockSpec((3, _FINE_CHUNK), lambda i: (0, i)),
        pl.BlockSpec((4, 4), lambda i: (0, 0)),
        pl.BlockSpec((4, 4), lambda i: (0, 0)),
    ],
    out_specs=[_scalar_spec] * 4,
    out_shape=[jax.ShapeDtypeStruct((1, 1), jnp.float32)] * 4,
)


def _combine_body(part_ref, c_ref):
    c_ref[...] = jnp.full((1, 1), jnp.sum(part_ref[...]) * (1.0 / NCORR))


_combine = pl.pallas_call(
    _combine_body,
    in_specs=[pl.BlockSpec((NW * LANES,), lambda: (0,))],
    out_specs=pl.BlockSpec((1, 1), lambda: (0, 0)),
    out_shape=jax.ShapeDtypeStruct((1, 1), jnp.float32),
)


def kernel(pos_points_c, anc_points_c, gt_node_corr_overlaps,
           gt_node_corr_indices, pos_node_corr_indices,
           anc_node_corr_indices, pos_corr_points, anc_corr_points,
           transform, est_transform):
    del pos_points_c, anc_points_c
    gt_pos = gt_node_corr_indices[:, 0]
    gt_anc = gt_node_corr_indices[:, 1]

    corr_map = _zero_map()
    tok = _sc_scatter(gt_pos, gt_anc, gt_node_corr_overlaps, corr_map)

    pos_t = pos_corr_points.T
    anc_t = anc_corr_points.T
    f_p, rre, rte, rec = _finalize(pos_t, anc_t, transform, est_transform)

    partials = _sc_gather(corr_map, pos_node_corr_indices,
                          anc_node_corr_indices, tok)
    c_p = _combine(partials)
    return (c_p[0, 0], f_p[0, 0], rre[0, 0], rte[0, 0], rec[0, 0])

# --- scband reference (transcript-rebuilt; emitter-appended) ---
"""Pipeline reference for scband-evaluator-2370821948151 (READ-ONLY COPY).

The authoritative reference and input builder live on the scoring server;
editing this copy changes nothing except your own understanding.
"""

import jax, jax.numpy as jnp
import numpy as np

ACCEPTANCE_OVERLAP = 0.1
ACCEPTANCE_RADIUS = 0.1
RRE_THRESHOLD = 15.0
RTE_THRESHOLD = 0.3


def apply_transform(points, transform):
    R = transform[:3, :3]
    t = transform[:3, 3]
    return points @ R.T + t


def isotropic_transform_error(gt_transform, est_transform):
    R_gt = gt_transform[:3, :3]
    t_gt = gt_transform[:3, 3]
    R_est = est_transform[:3, :3]
    t_est = est_transform[:3, 3]
    trace = jnp.trace(R_gt.T @ R_est)
    x = jnp.clip(0.5 * (trace - 1.0), -1.0, 1.0)
    rre = jnp.arccos(x) * (180.0 / jnp.pi)
    rte = jnp.linalg.norm(t_gt - t_est)
    return rre, rte


def setup_inputs(seed: int = 0) -> dict:
    key = jax.random.key(seed)
    ks = jax.random.split(key, 10)
    P, A = 8192, 8192
    NG, NC = 262144, 131072
    inp = {}
    inp['pos_points_c'] = jax.random.normal(ks[0], (P, 3), dtype=jnp.float32)
    inp['anc_points_c'] = jax.random.normal(ks[1], (A, 3), dtype=jnp.float32)
    inp['gt_node_corr_overlaps'] = jax.random.uniform(ks[2], (NG,), dtype=jnp.float32)
    inp['gt_node_corr_indices'] = jax.random.randint(ks[3], (NG, 2), 0, 8192, dtype=jnp.int64 if jax.config.jax_enable_x64 else jnp.int32).astype(jnp.int32)
    inp['pos_node_corr_indices'] = jax.random.randint(ks[4], (NC,), 0, 8192).astype(jnp.int32)
    inp['anc_node_corr_indices'] = jax.random.randint(ks[5], (NC,), 0, 8192).astype(jnp.int32)
    inp['pos_corr_points'] = jax.random.normal(ks[6], (NC, 3), dtype=jnp.float32)
    inp['anc_corr_points'] = jax.random.normal(ks[7], (NC, 3), dtype=jnp.float32)
    inp['transform'] = jax.random.normal(ks[8], (4, 4), dtype=jnp.float32)
    inp['est_transform'] = jax.random.normal(ks[9], (4, 4), dtype=jnp.float32)
    return inp


def reference(pos_points_c, anc_points_c, gt_node_corr_overlaps, gt_node_corr_indices,
              pos_node_corr_indices, anc_node_corr_indices, pos_corr_points,
              anc_corr_points, transform, est_transform):
    P = pos_points_c.shape[0]
    A = anc_points_c.shape[0]
    # evaluate_coarse: build gt correspondence map via scatter-overwrite, then gather
    masks = gt_node_corr_overlaps > ACCEPTANCE_OVERLAP
    gt_pos_idx = gt_node_corr_indices[:, 0]
    gt_anc_idx = gt_node_corr_indices[:, 1]
    # original: map[idx_pos[mask], idx_anc[mask]] = 1.0 on a zero-initialized map;
    # equivalent jit-safe form: scatter-max of the mask values onto zeros.
    gt_node_corr_map = jnp.zeros((P, A), dtype=jnp.float32)
    gt_node_corr_map = gt_node_corr_map.at[gt_pos_idx, gt_anc_idx].max(masks.astype(jnp.float32))
    c_precision = gt_node_corr_map[pos_node_corr_indices, anc_node_corr_indices].mean()
    # evaluate_fine
    anc_corr_points_t = apply_transform(anc_corr_points, transform)
    corr_distances = jnp.linalg.norm(pos_corr_points - anc_corr_points_t, axis=1)
    f_precision = (corr_distances < ACCEPTANCE_RADIUS).astype(jnp.float32).mean()
    # evaluate_registration
    rre, rte = isotropic_transform_error(transform, est_transform)
    recall = jnp.logical_and(rre < RRE_THRESHOLD, rte < RTE_THRESHOLD).astype(jnp.float32)
    return (c_precision, f_precision, rre, rte, recall)

if __name__ == "__main__":
    import jax
    _d = setup_inputs()
    print(jax.jit(kernel)(*tuple(_d.values())))

</pallas_src>

<mosaic_0001>
#map = affine_map<(d0, d1) -> (0)>
module attributes {stable_mosaic.version = 14 : i64} {
  func.func @_sc_gather(%arg0: i32, %arg1: i32, %arg2: memref<71303168xf32, #tpu.memory_space<hbm>>, %arg3: memref<131072xi32, #tpu.memory_space<hbm>>, %arg4: memref<131072xi32, #tpu.memory_space<hbm>>, %arg5: memref<512xf32, #tpu.memory_space<hbm>>, %arg6: memref<512xf32, #tpu.memory_space<hbm>>, %arg7: memref<4096xi32, #tpu.memory_space<vmem>>, %arg8: memref<4096xi32, #tpu.memory_space<vmem>>, %arg9: memref<4096xi32, #tpu.memory_space<vmem>>, %arg10: memref<4096xf32, #tpu.memory_space<vmem>>, %arg11: memref<16xf32, #tpu.memory_space<vmem>>, %arg12: memref<!tpu.dma_semaphore, #tpu.memory_space<semaphore_mem>>) attributes {dimension_semantics = [#tpu.dimension_semantics<core_parallel>, #tpu.dimension_semantics<subcore_parallel>], iteration_bounds = array<i64: 2, 16>, scalar_prefetch = 0 : i64, scratch_operands = 6 : i64, tpu.core_type = #tpu.core_type<sc_vector_subcore>, window_params = [{transform_indices = #map}, {transform_indices = #map}, {transform_indices = #map}, {transform_indices = #map}, {transform_indices = #map}]} {
    %mul3A = arith.constant 2 : i32
    %mul3A_0 = arith.muli %arg1, %mul3A : i32
    %add3A = arith.addi %mul3A_0, %arg0 : i32
    %mul3A_1 = arith.constant 4096 : i32
    %mul3A_2 = arith.muli %add3A, %mul3A_1 : i32
    "tpu.region"() ({
      %run_scoped3A = tpu.sem_alloc : memref<!tpu.dma_semaphore, #tpu.memory_space<semaphore_mem>>
      %dma_start3A = tpu.memref_slice %arg3[%mul3A_2] : memref<131072xi32, #tpu.memory_space<hbm>> -> memref<4096xi32, #tpu.memory_space<hbm>>
      %dma_start3A_32 = tpu.memref_slice %arg3[%mul3A_2] : memref<131072xi32, #tpu.memory_space<hbm>> -> memref<4096xi32, #tpu.memory_space<hbm>>
      tpu.enqueue_dma source(%dma_start3A_32 : memref<4096xi32, #tpu.memory_space<hbm>>) target(%arg7 : memref<4096xi32, #tpu.memory_space<vmem>>) target_semaphore(%run_scoped3A : memref<!tpu.dma_semaphore, #tpu.memory_space<semaphore_mem>>)
      %dma_wait3A = tpu.memref_slice %arg3[%mul3A_2] : memref<131072xi32, #tpu.memory_space<hbm>> -> memref<4096xi32, #tpu.memory_space<hbm>>
      %dma_wait3A_33 = tpu.memref_slice %arg3[%mul3A_2] : memref<131072xi32, #tpu.memory_space<hbm>> -> memref<4096xi32, #tpu.memory_space<hbm>>
      tpu.wait_dma2 semaphore(%run_scoped3A : memref<!tpu.dma_semaphore, #tpu.memory_space<semaphore_mem>>) src(%dma_wait3A_33 : memref<4096xi32, #tpu.memory_space<hbm>>) dst(%arg7 : memref<4096xi32, #tpu.memory_space<vmem>>)
      tpu.yield
    }) : () -> ()
    "tpu.region"() ({
      %run_scoped3A = tpu.sem_alloc : memref<!tpu.dma_semaphore, #tpu.memory_space<semaphore_mem>>
      %dma_start3A = tpu.memref_slice %arg4[%mul3A_2] : memref<131072xi32, #tpu.memory_space<hbm>> -> memref<4096xi32, #tpu.memory_space<hbm>>
      %dma_start3A_32 = tpu.memref_slice %arg4[%mul3A_2] : memref<131072xi32, #tpu.memory_space<hbm>> -> memref<4096xi32, #tpu.memory_space<hbm>>
      tpu.enqueue_dma source(%dma_start3A_32 : memref<4096xi32, #tpu.memory_space<hbm>>) target(%arg8 : memref<4096xi32, #tpu.memory_space<vmem>>) target_semaphore(%run_scoped3A : memref<!tpu.dma_semaphore, #tpu.memory_space<semaphore_mem>>)
      %dma_wait3A = tpu.memref_slice %arg4[%mul3A_2] : memref<131072xi32, #tpu.memory_space<hbm>> -> memref<4096xi32, #tpu.memory_space<hbm>>
      %dma_wait3A_33 = tpu.memref_slice %arg4[%mul3A_2] : memref<131072xi32, #tpu.memory_space<hbm>> -> memref<4096xi32, #tpu.memory_space<hbm>>
      tpu.wait_dma2 semaphore(%run_scoped3A : memref<!tpu.dma_semaphore, #tpu.memory_space<semaphore_mem>>) src(%dma_wait3A_33 : memref<4096xi32, #tpu.memory_space<hbm>>) dst(%arg8 : memref<4096xi32, #tpu.memory_space<vmem>>)
      tpu.yield
    }) : () -> ()
    %scan3A = arith.constant 0 : i32
    %scan3A_3 = arith.constant 0 : i32
    %scan3A_4 = arith.constant 256 : i32
    %scan3A_5 = arith.addi %scan3A_3, %scan3A_4 : i32
    %scan3A_6 = arith.constant 1 : i32
    scf.for %scan3A_32 = %scan3A_3 to %scan3A_5 step %scan3A_6  : i32 {
      %mul3A_33 = arith.constant 16 : i32
      %mul3A_34 = arith.muli %scan3A_32, %mul3A_33 : i32
      %get3A = arith.index_cast %mul3A_34 : i32 to index
      %get3A_35 = tpu.vector_load %arg7[%get3A] {strides = array<i32>} : memref<4096xi32, #tpu.memory_space<vmem>>, vector<16xi32>,
      %get3A_36 = vector.shape_cast %get3A_35 : vector<16xi32> to vector<16xi32>
      %mul3A_37 = arith.constant 8192 : i32
      %mul3A_38 = vector.broadcast %mul3A_37 : i32 to vector<16xi32>
      %mul3A_39 = arith.muli %get3A_36, %mul3A_38 : vector<16xi32>
      %get3A_40 = arith.index_cast %mul3A_34 : i32 to index
      %get3A_41 = tpu.vector_load %arg8[%get3A_40] {strides = array<i32>} : memref<4096xi32, #tpu.memory_space<vmem>>, vector<16xi32>,
      %get3A_42 = vector.shape_cast %get3A_41 : vector<16xi32> to vector<16xi32>
      %add3A_43 = arith.addi %mul3A_39, %get3A_42 : vector<16xi32>
      %swap3A_44 = arith.index_cast %mul3A_34 : i32 to index
      %swap3A_45 = tpu.vector_load %arg9[%swap3A_44] {strides = array<i32>} : memref<4096xi32, #tpu.memory_space<vmem>>, vector<16xi32>,
      %swap3A_46 = vector.shape_cast %swap3A_45 : vector<16xi32> to vector<16xi32>
      %swap3A_47 = vector.shape_cast %add3A_43 : vector<16xi32> to vector<16xi32>
      tpu.vector_store %arg9[%swap3A_44], %swap3A_47 {strides = array<i32>} : memref<4096xi32, #tpu.memory_space<vmem>>, vector<16xi32>,
    }
    %scan3A_7 = arith.constant 256 : i32
    %scan3A_8 = arith.constant 0 : i32
    %scan3A_9 = arith.constant 0 : i32
    %scan3A_10 = arith.constant 32 : i32
    %scan3A_11 = arith.addi %scan3A_9, %scan3A_10 : i32
    %scan3A_12 = arith.constant 1 : i32
    scf.for %scan3A_32 = %scan3A_9 to %scan3A_11 step %scan3A_12  : i32 {
      %mul3A_33 = arith.constant 128 : i32
      %mul3A_34 = arith.muli %scan3A_32, %mul3A_33 : i32
      %mul3A_35 = arith.constant 128 : i32
      %mul3A_36 = arith.muli %scan3A_32, %mul3A_35 : i32
      %dma_start3A = tpu.memref_slice %arg10[%mul3A_36] : memref<4096xf32, #tpu.memory_space<vmem>> -> memref<128xf32, #tpu.memory_space<vmem>>
      %dma_start3A_37 = tpu.memref_slice %arg9[%mul3A_34] : memref<4096xi32, #tpu.memory_space<vmem>> -> memref<128xi32, #tpu.memory_space<vmem>>
      %dma_start3A_38 = arith.constant 0 : i32
      %dma_start3A_39 = tpu.memref_slice %arg2[%dma_start3A_38] : memref<71303168xf32, #tpu.memory_space<hbm>> -> memref<71303168xf32, #tpu.memory_space<hbm>>
      tpu.enqueue_indirect_dma source(%dma_start3A_39 : memref<71303168xf32, #tpu.memory_space<hbm>>) target(%dma_start3A : memref<128xf32, #tpu.memory_space<vmem>>) offsets(%dma_start3A_37 : memref<128xi32, #tpu.memory_space<vmem>>) semaphore(%arg12 : memref<!tpu.dma_semaphore, #tpu.memory_space<semaphore_mem>>)
    }
    %scan3A_13 = arith.constant 32 : i32
    %scan3A_14 = arith.constant 0 : i32
    %scan3A_15 = arith.constant 0 : i32
    %scan3A_16 = arith.constant 32 : i32
    %scan3A_17 = arith.addi %scan3A_15, %scan3A_16 : i32
    %scan3A_18 = arith.constant 1 : i32
    scf.for %scan3A_32 = %scan3A_15 to %scan3A_17 step %scan3A_18  : i32 {
      %dma_wait3A = arith.constant 0 : i32
      %dma_wait3A_33 = tpu.memref_slice %arg10[%dma_wait3A] : memref<4096xf32, #tpu.memory_space<vmem>> -> memref<128xf32, #tpu.memory_space<vmem>>
      %dma_wait3A_34 = arith.constant 0 : i32
      %dma_wait3A_35 = tpu.memref_slice %arg9[%dma_wait3A_34] : memref<4096xi32, #tpu.memory_space<vmem>> -> memref<128xi32, #tpu.memory_space<vmem>>
      %dma_wait3A_36 = arith.constant 0 : i32
      %dma_wait3A_37 = tpu.memref_slice %arg2[%dma_wait3A_36] : memref<71303168xf32, #tpu.memory_space<hbm>> -> memref<71303168xf32, #tpu.memory_space<hbm>>
      tpu.wait_indirect_dma semaphore(%arg12 : memref<!tpu.dma_semaphore, #tpu.memory_space<semaphore_mem>>) src(%dma_wait3A_37 : memref<71303168xf32, #tpu.memory_space<hbm>>) dst(%dma_wait3A_33 : memref<128xf32, #tpu.memory_space<vmem>>)
    }
    %scan3A_19 = arith.constant 32 : i32
    %broadcast_in_dim3A = arith.constant 0.000000e+00 : f32
    %broadcast_in_dim3A_20 = vector.broadcast %broadcast_in_dim3A : f32 to vector<16xf32>
    %scan3A_21 = arith.constant 0 : i32
    %scan3A_22 = arith.constant 256 : i32
    %scan3A_23 = arith.addi %scan3A_21, %scan3A_22 : i32
    %scan3A_24 = arith.constant 1 : i32
    %scan3A_25 = scf.for %scan3A_32 = %scan3A_21 to %scan3A_23 step %scan3A_24 iter_args(%scan3A_33 = %broadcast_in_dim3A_20) -> (vector<16xf32>)  : i32 {
      %mul3A_34 = arith.constant 16 : i32
      %mul3A_35 = arith.muli %scan3A_32, %mul3A_34 : i32
      %get3A = arith.index_cast %mul3A_35 : i32 to index
      %get3A_36 = tpu.vector_load %arg10[%get3A] {strides = array<i32>} : memref<4096xf32, #tpu.memory_space<vmem>>, vector<16xf32>,
      %get3A_37 = vector.shape_cast %get3A_36 : vector<16xf32> to vector<16xf32>
      %add3A_38 = arith.addf %scan3A_33, %get3A_37 : vector<16xf32>
      scf.yield %add3A_38 : vector<16xf32>
    }
    %scan3A_26 = arith.constant 256 : i32
    %swap3A = arith.constant 0 : index
    %swap3A_27 = tpu.vector_load %arg11[%swap3A] {strides = array<i32>} : memref<16xf32, #tpu.memory_space<vmem>>, vector<16xf32>,
    %swap3A_28 = vector.shape_cast %swap3A_27 : vector<16xf32> to vector<16xf32>
    %swap3A_29 = vector.shape_cast %scan3A_25 : vector<16xf32> to vector<16xf32>
    tpu.vector_store %arg11[%swap3A], %swap3A_29 {strides = array<i32>} : memref<16xf32, #tpu.memory_space<vmem>>, vector<16xf32>,
    %mul3A_30 = arith.constant 16 : i32
    %mul3A_31 = arith.muli %add3A, %mul3A_30 : i32
    "tpu.region"() ({
      %run_scoped3A = tpu.sem_alloc : memref<!tpu.dma_semaphore, #tpu.memory_space<semaphore_mem>>
      %dma_start3A = tpu.memref_slice %arg6[%mul3A_31] : memref<512xf32, #tpu.memory_space<hbm>> -> memref<16xf32, #tpu.memory_space<hbm>>
      %dma_start3A_32 = tpu.memref_slice %arg6[%mul3A_31] : memref<512xf32, #tpu.memory_space<hbm>> -> memref<16xf32, #tpu.memory_space<hbm>>
      tpu.enqueue_dma source(%arg11 : memref<16xf32, #tpu.memory_space<vmem>>) target(%dma_start3A_32 : memref<16xf32, #tpu.memory_space<hbm>>) target_semaphore(%run_scoped3A : memref<!tpu.dma_semaphore, #tpu.memory_space<semaphore_mem>>)
      %dma_wait3A = tpu.memref_slice %arg6[%mul3A_31] : memref<512xf32, #tpu.memory_space<hbm>> -> memref<16xf32, #tpu.memory_space<hbm>>
      %dma_wait3A_33 = tpu.memref_slice %arg6[%mul3A_31] : memref<512xf32, #tpu.memory_space<hbm>> -> memref<16xf32, #tpu.memory_space<hbm>>
      tpu.wait_dma2 semaphore(%run_scoped3A : memref<!tpu.dma_semaphore, #tpu.memory_space<semaphore_mem>>) src(%arg11 : memref<16xf32, #tpu.memory_space<vmem>>) dst(%dma_wait3A_33 : memref<16xf32, #tpu.memory_space<hbm>>)
      tpu.yield
    }) : () -> ()
    return
  }
}

#map = affine_map<(d0, d1) -> (0)>
module attributes {stable_mosaic.version = 14 : i64} {
  func.func @_sc_scatter(%arg0: i32, %arg1: i32, %arg2: memref<262144xi32, #tpu.memory_space<hbm>>, %arg3: memref<262144xi32, #tpu.memory_space<hbm>>, %arg4: memref<262144xf32, #tpu.memory_space<hbm>>, %arg5: memref<71303168xf32, #tpu.memory_space<hbm>>, %arg6: memref<512xf32, #tpu.memory_space<hbm>>, %arg7: memref<8192xi32, #tpu.memory_space<vmem>>, %arg8: memref<8192xi32, #tpu.memory_space<vmem>>, %arg9: memref<8192xf32, #tpu.memory_space<vmem>>, %arg10: memref<64x128xi32, #tpu.memory_space<vmem>>, %arg11: memref<128xf32, #tpu.memory_space<vmem>>, %arg12: memref<16xf32, #tpu.memory_space<vmem>>, %arg13: memref<!tpu.dma_semaphore, #tpu.memory_space<semaphore_mem>>) attributes {dimension_semantics = [#tpu.dimension_semantics<core_parallel>, #tpu.dimension_semantics<subcore_parallel>], iteration_bounds = array<i64: 2, 16>, scalar_prefetch = 0 : i64, scratch_operands = 7 : i64, tpu.core_type = #tpu.core_type<sc_vector_subcore>, window_params = [{transform_indices = #map}, {transform_indices = #map}, {transform_indices = #map}, {transform_indices = #map}, {transform_indices = #map}]} {
    %mul3A = arith.constant 2 : i32
    %mul3A_0 = arith.muli %arg1, %mul3A : i32
    %add3A = arith.addi %mul3A_0, %arg0 : i32
    %mul3A_1 = arith.constant 8192 : i32
    %mul3A_2 = arith.muli %add3A, %mul3A_1 : i32
    "tpu.region"() ({
      %run_scoped3A = tpu.sem_alloc : memref<!tpu.dma_semaphore, #tpu.memory_space<semaphore_mem>>
      %dma_start3A = tpu.memref_slice %arg2[%mul3A_2] : memref<262144xi32, #tpu.memory_space<hbm>> -> memref<8192xi32, #tpu.memory_space<hbm>>
      %dma_start3A_74 = tpu.memref_slice %arg2[%mul3A_2] : memref<262144xi32, #tpu.memory_space<hbm>> -> memref<8192xi32, #tpu.memory_space<hbm>>
      tpu.enqueue_dma source(%dma_start3A_74 : memref<8192xi32, #tpu.memory_space<hbm>>) target(%arg7 : memref<8192xi32, #tpu.memory_space<vmem>>) target_semaphore(%run_scoped3A : memref<!tpu.dma_semaphore, #tpu.memory_space<semaphore_mem>>)
      %dma_wait3A = tpu.memref_slice %arg2[%mul3A_2] : memref<262144xi32, #tpu.memory_space<hbm>> -> memref<8192xi32, #tpu.memory_space<hbm>>
      %dma_wait3A_75 = tpu.memref_slice %arg2[%mul3A_2] : memref<262144xi32, #tpu.memory_space<hbm>> -> memref<8192xi32, #tpu.memory_space<hbm>>
      tpu.wait_dma2 semaphore(%run_scoped3A : memref<!tpu.dma_semaphore, #tpu.memory_space<semaphore_mem>>) src(%dma_wait3A_75 : memref<8192xi32, #tpu.memory_space<hbm>>) dst(%arg7 : memref<8192xi32, #tpu.memory_space<vmem>>)
      tpu.yield
    }) : () -> ()
    "tpu.region"() ({
      %run_scoped3A = tpu.sem_alloc : memref<!tpu.dma_semaphore, #tpu.memory_space<semaphore_mem>>
      %dma_start3A = tpu.memref_slice %arg3[%mul3A_2] : memref<262144xi32, #tpu.memory_space<hbm>> -> memref<8192xi32, #tpu.memory_space<hbm>>
      %dma_start3A_74 = tpu.memref_slice %arg3[%mul3A_2] : memref<262144xi32, #tpu.memory_space<hbm>> -> memref<8192xi32, #tpu.memory_space<hbm>>
      tpu.enqueue_dma source(%dma_start3A_74 : memref<8192xi32, #tpu.memory_space<hbm>>) target(%arg8 : memref<8192xi32, #tpu.memory_space<vmem>>) target_semaphore(%run_scoped3A : memref<!tpu.dma_semaphore, #tpu.memory_space<semaphore_mem>>)
      %dma_wait3A = tpu.memref_slice %arg3[%mul3A_2] : memref<262144xi32, #tpu.memory_space<hbm>> -> memref<8192xi32, #tpu.memory_space<hbm>>
      %dma_wait3A_75 = tpu.memref_slice %arg3[%mul3A_2] : memref<262144xi32, #tpu.memory_space<hbm>> -> memref<8192xi32, #tpu.memory_space<hbm>>
      tpu.wait_dma2 semaphore(%run_scoped3A : memref<!tpu.dma_semaphore, #tpu.memory_space<semaphore_mem>>) src(%dma_wait3A_75 : memref<8192xi32, #tpu.memory_space<hbm>>) dst(%arg8 : memref<8192xi32, #tpu.memory_space<vmem>>)
      tpu.yield
    }) : () -> ()
    "tpu.region"() ({
      %run_scoped3A = tpu.sem_alloc : memref<!tpu.dma_semaphore, #tpu.memory_space<semaphore_mem>>
      %dma_start3A = tpu.memref_slice %arg4[%mul3A_2] : memref<262144xf32, #tpu.memory_space<hbm>> -> memref<8192xf32, #tpu.memory_space<hbm>>
      %dma_start3A_74 = tpu.memref_slice %arg4[%mul3A_2] : memref<262144xf32, #tpu.memory_space<hbm>> -> memref<8192xf32, #tpu.memory_space<hbm>>
      tpu.enqueue_dma source(%dma_start3A_74 : memref<8192xf32, #tpu.memory_space<hbm>>) target(%arg9 : memref<8192xf32, #tpu.memory_space<vmem>>) target_semaphore(%run_scoped3A : memref<!tpu.dma_semaphore, #tpu.memory_space<semaphore_mem>>)
      %dma_wait3A = tpu.memref_slice %arg4[%mul3A_2] : memref<262144xf32, #tpu.memory_space<hbm>> -> memref<8192xf32, #tpu.memory_space<hbm>>
      %dma_wait3A_75 = tpu.memref_slice %arg4[%mul3A_2] : memref<262144xf32, #tpu.memory_space<hbm>> -> memref<8192xf32, #tpu.memory_space<hbm>>
      tpu.wait_dma2 semaphore(%run_scoped3A : memref<!tpu.dma_semaphore, #tpu.memory_space<semaphore_mem>>) src(%dma_wait3A_75 : memref<8192xf32, #tpu.memory_space<hbm>>) dst(%arg9 : memref<8192xf32, #tpu.memory_space<vmem>>)
      tpu.yield
    }) : () -> ()
    %iota3A = tpu.iota {dimensions = array<i32: 0>} : vector<16xi32>
    %broadcast_in_dim3A = arith.constant 1.000000e+00 : f32
    %broadcast_in_dim3A_3 = vector.broadcast %broadcast_in_dim3A : f32 to vector<16xf32>
    %swap3A = arith.constant 0 : index
    %swap3A_4 = tpu.vector_load %arg11[%swap3A] {strides = array<i32>} : memref<128xf32, #tpu.memory_space<vmem>>, vector<16xf32>,
    %swap3A_5 = vector.shape_cast %swap3A_4 : vector<16xf32> to vector<16xf32>
    %swap3A_6 = vector.shape_cast %broadcast_in_dim3A_3 : vector<16xf32> to vector<16xf32>
    tpu.vector_store %arg11[%swap3A], %swap3A_6 {strides = array<i32>} : memref<128xf32, #tpu.memory_space<vmem>>, vector<16xf32>,
    %broadcast_in_dim3A_7 = arith.constant 1.000000e+00 : f32
    %broadcast_in_dim3A_8 = vector.broadcast %broadcast_in_dim3A_7 : f32 to vector<16xf32>
    %swap3A_9 = arith.constant 16 : index
    %swap3A_10 = tpu.vector_load %arg11[%swap3A_9] {strides = array<i32>} : memref<128xf32, #tpu.memory_space<vmem>>, vector<16xf32>,
    %swap3A_11 = vector.shape_cast %swap3A_10 : vector<16xf32> to vector<16xf32>
    %swap3A_12 = vector.shape_cast %broadcast_in_dim3A_8 : vector<16xf32> to vector<16xf32>
    tpu.vector_store %arg11[%swap3A_9], %swap3A_12 {strides = array<i32>} : memref<128xf32, #tpu.memory_space<vmem>>, vector<16xf32>,
    %broadcast_in_dim3A_13 = arith.constant 1.000000e+00 : f32
    %broadcast_in_dim3A_14 = vector.broadcast %broadcast_in_dim3A_13 : f32 to vector<16xf32>
    %swap3A_15 = arith.constant 32 : index
    %swap3A_16 = tpu.vector_load %arg11[%swap3A_15] {strides = array<i32>} : memref<128xf32, #tpu.memory_space<vmem>>, vector<16xf32>,
    %swap3A_17 = vector.shape_cast %swap3A_16 : vector<16xf32> to vector<16xf32>
    %swap3A_18 = vector.shape_cast %broadcast_in_dim3A_14 : vector<16xf32> to vector<16xf32>
    tpu.vector_store %arg11[%swap3A_15], %swap3A_18 {strides = array<i32>} : memref<128xf32, #tpu.memory_space<vmem>>, vector<16xf32>,
    %broadcast_in_dim3A_19 = arith.constant 1.000000e+00 : f32
    %broadcast_in_dim3A_20 = vector.broadcast %broadcast_in_dim3A_19 : f32 to vector<16xf32>
    %swap3A_21 = arith.constant 48 : index
    %swap3A_22 = tpu.vector_load %arg11[%swap3A_21] {strides = array<i32>} : memref<128xf32, #tpu.memory_space<vmem>>, vector<16xf32>,
    %swap3A_23 = vector.shape_cast %swap3A_22 : vector<16xf32> to vector<16xf32>
    %swap3A_24 = vector.shape_cast %broadcast_in_dim3A_20 : vector<16xf32> to vector<16xf32>
    tpu.vector_store %arg11[%swap3A_21], %swap3A_24 {strides = array<i32>} : memref<128xf32, #tpu.memory_space<vmem>>, vector<16xf32>,
    %broadcast_in_dim3A_25 = arith.constant 1.000000e+00 : f32
    %broadcast_in_dim3A_26 = vector.broadcast %broadcast_in_dim3A_25 : f32 to vector<16xf32>
    %swap3A_27 = arith.constant 64 : index
    %swap3A_28 = tpu.vector_load %arg11[%swap3A_27] {strides = array<i32>} : memref<128xf32, #tpu.memory_space<vmem>>, vector<16xf32>,
    %swap3A_29 = vector.shape_cast %swap3A_28 : vector<16xf32> to vector<16xf32>
    %swap3A_30 = vector.shape_cast %broadcast_in_dim3A_26 : vector<16xf32> to vector<16xf32>
    tpu.vector_store %arg11[%swap3A_27], %swap3A_30 {strides = array<i32>} : memref<128xf32, #tpu.memory_space<vmem>>, vector<16xf32>,
    %broadcast_in_dim3A_31 = arith.constant 1.000000e+00 : f32
    %broadcast_in_dim3A_32 = vector.broadcast %broadcast_in_dim3A_31 : f32 to vector<16xf32>
    %swap3A_33 = arith.constant 80 : index
    %swap3A_34 = tpu.vector_load %arg11[%swap3A_33] {strides = array<i32>} : memref<128xf32, #tpu.memory_space<vmem>>, vector<16xf32>,
    %swap3A_35 = vector.shape_cast %swap3A_34 : vector<16xf32> to vector<16xf32>
    %swap3A_36 = vector.shape_cast %broadcast_in_dim3A_32 : vector<16xf32> to vector<16xf32>
    tpu.vector_store %arg11[%swap3A_33], %swap3A_36 {strides = array<i32>} : memref<128xf32, #tpu.memory_space<vmem>>, vector<16xf32>,
    %broadcast_in_dim3A_37 = arith.constant 1.000000e+00 : f32
    %broadcast_in_dim3A_38 = vector.broadcast %broadcast_in_dim3A_37 : f32 to vector<16xf32>
    %swap3A_39 = arith.constant 96 : index
    %swap3A_40 = tpu.vector_load %arg11[%swap3A_39] {strides = array<i32>} : memref<128xf32, #tpu.memory_space<vmem>>, vector<16xf32>,
    %swap3A_41 = vector.shape_cast %swap3A_40 : vector<16xf32> to vector<16xf32>
    %swap3A_42 = vector.shape_cast %broadcast_in_dim3A_38 : vector<16xf32> to vector<16xf32>
    tpu.vector_store %arg11[%swap3A_39], %swap3A_42 {strides = array<i32>} : memref<128xf32, #tpu.memory_space<vmem>>, vector<16xf32>,
    %broadcast_in_dim3A_43 = arith.constant 1.000000e+00 : f32
    %broadcast_in_dim3A_44 = vector.broadcast %broadcast_in_dim3A_43 : f32 to vector<16xf32>
    %swap3A_45 = arith.constant 112 : index
    %swap3A_46 = tpu.vector_load %arg11[%swap3A_45] {strides = array<i32>} : memref<128xf32, #tpu.memory_space<vmem>>, vector<16xf32>,
    %swap3A_47 = vector.shape_cast %swap3A_46 : vector<16xf32> to vector<16xf32>
    %swap3A_48 = vector.shape_cast %broadcast_in_dim3A_44 : vector<16xf32> to vector<16xf32>
    tpu.vector_store %arg11[%swap3A_45], %swap3A_48 {strides = array<i32>} : memref<128xf32, #tpu.memory_space<vmem>>, vector<16xf32>,
    %scan3A = arith.constant 0 : i32
    %scan3A_49 = arith.constant 0 : i32
    %scan3A_50 = arith.constant 64 : i32
    %scan3A_51 = arith.addi %scan3A_49, %scan3A_50 : i32
    %scan3A_52 = arith.constant 1 : i32
    scf.for %scan3A_74 = %scan3A_49 to %scan3A_51 step %scan3A_52  : i32 {
      %mul3A_75 = arith.constant 128 : i32
      %mul3A_76 = arith.muli %scan3A_74, %mul3A_75 : i32
      %add3A_77 = arith.constant 0 : i32
      %add3A_78 = arith.addi %mul3A_76, %add3A_77 : i32
      %get3A = arith.index_cast %add3A_78 : i32 to index
      %get3A_79 = tpu.vector_load %arg7[%get3A] {strides = array<i32>} : memref<8192xi32, #tpu.memory_space<vmem>>, vector<16xi32>,
      %get3A_80 = vector.shape_cast %get3A_79 : vector<16xi32> to vector<16xi32>
      %get3A_81 = arith.index_cast %add3A_78 : i32 to index
      %get3A_82 = tpu.vector_load %arg8[%get3A_81] {strides = array<i32>} : memref<8192xi32, #tpu.memory_space<vmem>>, vector<16xi32>,
      %get3A_83 = vector.shape_cast %get3A_82 : vector<16xi32> to vector<16xi32>
      %get3A_84 = arith.index_cast %add3A_78 : i32 to index
      %get3A_85 = tpu.vector_load %arg9[%get3A_84] {strides = array<i32>} : memref<8192xf32, #tpu.memory_space<vmem>>, vector<16xf32>,
      %get3A_86 = vector.shape_cast %get3A_85 : vector<16xf32> to vector<16xf32>
      %add3A_87 = arith.constant 67108864 : i32
      %add3A_88 = arith.addi %add3A_87, %mul3A_2 : i32
      %add3A_89 = arith.addi %add3A_88, %add3A_78 : i32
      %add3A_90 = vector.broadcast %add3A_89 : i32 to vector<16xi32>
      %add3A_91 = arith.addi %add3A_90, %iota3A : vector<16xi32>
      %gt3A = arith.constant 1.000000e-01 : f32
      %gt3A_92 = vector.broadcast %gt3A : f32 to vector<16xf32>
      %gt3A_93 = arith.cmpf ogt, %get3A_86, %gt3A_92 : vector<16xf32>
      %mul3A_94 = arith.constant 8192 : i32
      %mul3A_95 = vector.broadcast %mul3A_94 : i32 to vector<16xi32>
      %mul3A_96 = arith.muli %get3A_80, %mul3A_95 : vector<16xi32>
      %add3A_97 = arith.addi %mul3A_96, %get3A_83 : vector<16xi32>
      %select_n3A = arith.select %gt3A_93, %add3A_97, %add3A_91 : vector<16xi1>, vector<16xi32>
      %swap3A_98 = arith.index_cast %scan3A_74 : i32 to index
      %swap3A_99 = arith.constant 0 : index
      %swap3A_100 = tpu.vector_load %arg10[%swap3A_98, %swap3A_99] {strides = array<i32>} : memref<64x128xi32, #tpu.memory_space<vmem>>, vector<1x16xi32>,
      %swap3A_101 = vector.shape_cast %swap3A_100 : vector<1x16xi32> to vector<16xi32>
      %swap3A_102 = vector.shape_cast %select_n3A : vector<16xi32> to vector<1x16xi32>
      tpu.vector_store %arg10[%swap3A_98, %swap3A_99], %swap3A_102 {strides = array<i32>} : memref<64x128xi32, #tpu.memory_space<vmem>>, vector<1x16xi32>,
      %mul3A_103 = arith.constant 128 : i32
      %mul3A_104 = arith.muli %scan3A_74, %mul3A_103 : i32
      %add3A_105 = arith.constant 16 : i32
      %add3A_106 = arith.addi %mul3A_104, %add3A_105 : i32
      %get3A_107 = arith.index_cast %add3A_106 : i32 to index
      %get3A_108 = tpu.vector_load %arg7[%get3A_107] {strides = array<i32>} : memref<8192xi32, #tpu.memory_space<vmem>>, vector<16xi32>,
      %get3A_109 = vector.shape_cast %get3A_108 : vector<16xi32> to vector<16xi32>
      %get3A_110 = arith.index_cast %add3A_106 : i32 to index
      %get3A_111 = tpu.vector_load %arg8[%get3A_110] {strides = array<i32>} : memref<8192xi32, #tpu.memory_space<vmem>>, vector<16xi32>,
      %get3A_112 = vector.shape_cast %get3A_111 : vector<16xi32> to vector<16xi32>
      %get3A_113 = arith.index_cast %add3A_106 : i32 to index
      %get3A_114 = tpu.vector_load %arg9[%get3A_113] {strides = array<i32>} : memref<8192xf32, #tpu.memory_space<vmem>>, vector<16xf32>,
      %get3A_115 = vector.shape_cast %get3A_114 : vector<16xf32> to vector<16xf32>
      %add3A_116 = arith.constant 67108864 : i32
      %add3A_117 = arith.addi %add3A_116, %mul3A_2 : i32
      %add3A_118 = arith.addi %add3A_117, %add3A_106 : i32
      %add3A_119 = vector.broadcast %add3A_118 : i32 to vector<16xi32>
      %add3A_120 = arith.addi %add3A_119, %iota3A : vector<16xi32>
      %gt3A_121 = arith.constant 1.000000e-01 : f32
      %gt3A_122 = vector.broadcast %gt3A_121 : f32 to vector<16xf32>
      %gt3A_123 = arith.cmpf ogt, %get3A_115, %gt3A_122 : vector<16xf32>
      %mul3A_124 = arith.constant 8192 : i32
      %mul3A_125 = vector.broadcast %mul3A_124 : i32 to vector<16xi32>
      %mul3A_126 = arith.muli %get3A_109, %mul3A_125 : vector<16xi32>
      %add3A_127 = arith.addi %mul3A_126, %get3A_112 : vector<16xi32>
      %select_n3A_128 = arith.select %gt3A_123, %add3A_127, %add3A_120 : vector<16xi1>, vector<16xi32>
      %swap3A_129 = arith.index_cast %scan3A_74 : i32 to index
      %swap3A_130 = arith.constant 16 : index
      %swap3A_131 = tpu.vector_load %arg10[%swap3A_129, %swap3A_130] {strides = array<i32>} : memref<64x128xi32, #tpu.memory_space<vmem>>, vector<1x16xi32>,
      %swap3A_132 = vector.shape_cast %swap3A_131 : vector<1x16xi32> to vector<16xi32>
      %swap3A_133 = vector.shape_cast %select_n3A_128 : vector<16xi32> to vector<1x16xi32>
      tpu.vector_store %arg10[%swap3A_129, %swap3A_130], %swap3A_133 {strides = array<i32>} : memref<64x128xi32, #tpu.memory_space<vmem>>, vector<1x16xi32>,
      %mul3A_134 = arith.constant 128 : i32
      %mul3A_135 = arith.muli %scan3A_74, %mul3A_134 : i32
      %add3A_136 = arith.constant 32 : i32
      %add3A_137 = arith.addi %mul3A_135, %add3A_136 : i32
      %get3A_138 = arith.index_cast %add3A_137 : i32 to index
      %get3A_139 = tpu.vector_load %arg7[%get3A_138] {strides = array<i32>} : memref<8192xi32, #tpu.memory_space<vmem>>, vector<16xi32>,
      %get3A_140 = vector.shape_cast %get3A_139 : vector<16xi32> to vector<16xi32>
      %get3A_141 = arith.index_cast %add3A_137 : i32 to index
      %get3A_142 = tpu.vector_load %arg8[%get3A_141] {strides = array<i32>} : memref<8192xi32, #tpu.memory_space<vmem>>, vector<16xi32>,
      %get3A_143 = vector.shape_cast %get3A_142 : vector<16xi32> to vector<16xi32>
      %get3A_144 = arith.index_cast %add3A_137 : i32 to index
      %get3A_145 = tpu.vector_load %arg9[%get3A_144] {strides = array<i32>} : memref<8192xf32, #tpu.memory_space<vmem>>, vector<16xf32>,
      %get3A_146 = vector.shape_cast %get3A_145 : vector<16xf32> to vector<16xf32>
      %add3A_147 = arith.constant 67108864 : i32
      %add3A_148 = arith.addi %add3A_147, %mul3A_2 : i32
      %add3A_149 = arith.addi %add3A_148, %add3A_137 : i32
      %add3A_150 = vector.broadcast %add3A_149 : i32 to vector<16xi32>
      %add3A_151 = arith.addi %add3A_150, %iota3A : vector<16xi32>
      %gt3A_152 = arith.constant 1.000000e-01 : f32
      %gt3A_153 = vector.broadcast %gt3A_152 : f32 to vector<16xf32>
      %gt3A_154 = arith.cmpf ogt, %get3A_146, %gt3A_153 : vector<16xf32>
      %mul3A_155 = arith.constant 8192 : i32
      %mul3A_156 = vector.broadcast %mul3A_155 : i32 to vector<16xi32>
      %mul3A_157 = arith.muli %get3A_140, %mul3A_156 : vector<16xi32>
      %add3A_158 = arith.addi %mul3A_157, %get3A_143 : vector<16xi32>
      %select_n3A_159 = arith.select %gt3A_154, %add3A_158, %add3A_151 : vector<16xi1>, vector<16xi32>
      %swap3A_160 = arith.index_cast %scan3A_74 : i32 to index
      %swap3A_161 = arith.constant 32 : index
      %swap3A_162 = tpu.vector_load %arg10[%swap3A_160, %swap3A_161] {strides = array<i32>} : memref<64x128xi32, #tpu.memory_space<vmem>>, vector<1x16xi32>,
      %swap3A_163 = vector.shape_cast %swap3A_162 : vector<1x16xi32> to vector<16xi32>
      %swap3A_164 = vector.shape_cast %select_n3A_159 : vector<16xi32> to vector<1x16xi32>
      tpu.vector_store %arg10[%swap3A_160, %swap3A_161], %swap3A_164 {strides = array<i32>} : memref<64x128xi32, #tpu.memory_space<vmem>>, vector<1x16xi32>,
      %mul3A_165 = arith.constant 128 : i32
      %mul3A_166 = arith.muli %scan3A_74, %mul3A_165 : i32
      %add3A_167 = arith.constant 48 : i32
      %add3A_168 = arith.addi %mul3A_166, %add3A_167 : i32
      %get3A_169 = arith.index_cast %add3A_168 : i32 to index
      %get3A_170 = tpu.vector_load %arg7[%get3A_169] {strides = array<i32>} : memref<8192xi32, #tpu.memory_space<vmem>>, vector<16xi32>,
      %get3A_171 = vector.shape_cast %get3A_170 : vector<16xi32> to vector<16xi32>
      %get3A_172 = arith.index_cast %add3A_168 : i32 to index
      %get3A_173 = tpu.vector_load %arg8[%get3A_172] {strides = array<i32>} : memref<8192xi32, #tpu.memory_space<vmem>>, vector<16xi32>,
      %get3A_174 = vector.shape_cast %get3A_173 : vector<16xi32> to vector<16xi32>
      %get3A_175 = arith.index_cast %add3A_168 : i32 to index
      %get3A_176 = tpu.vector_load %arg9[%get3A_175] {strides = array<i32>} : memref<8192xf32, #tpu.memory_space<vmem>>, vector<16xf32>,
      %get3A_177 = vector.shape_cast %get3A_176 : vector<16xf32> to vector<16xf32>
      %add3A_178 = arith.constant 67108864 : i32
      %add3A_179 = arith.addi %add3A_178, %mul3A_2 : i32
      %add3A_180 = arith.addi %add3A_179, %add3A_168 : i32
      %add3A_181 = vector.broadcast %add3A_180 : i32 to vector<16xi32>
      %add3A_182 = arith.addi %add3A_181, %iota3A : vector<16xi32>
      %gt3A_183 = arith.constant 1.000000e-01 : f32
      %gt3A_184 = vector.broadcast %gt3A_183 : f32 to vector<16xf32>
      %gt3A_185 = arith.cmpf ogt, %get3A_177, %gt3A_184 : vector<16xf32>
      %mul3A_186 = arith.constant 8192 : i32
      %mul3A_187 = vector.broadcast %mul3A_186 : i32 to vector<16xi32>
      %mul3A_188 = arith.muli %get3A_171, %mul3A_187 : vector<16xi32>
      %add3A_189 = arith.addi %mul3A_188, %get3A_174 : vector<16xi32>
      %select_n3A_190 = arith.select %gt3A_185, %add3A_189, %add3A_182 : vector<16xi1>, vector<16xi32>
      %swap3A_191 = arith.index_cast %scan3A_74 : i32 to index
      %swap3A_192 = arith.constant 48 : index
      %swap3A_193 = tpu.vector_load %arg10[%swap3A_191, %swap3A_192] {strides = array<i32>} : memref<64x128xi32, #tpu.memory_space<vmem>>, vector<1x16xi32>,
      %swap3A_194 = vector.shape_cast %swap3A_193 : vector<1x16xi32> to vector<16xi32>
      %swap3A_195 = vector.shape_cast %select_n3A_190 : vector<16xi32> to vector<1x16xi32>
      tpu.vector_store %arg10[%swap3A_191, %swap3A_192], %swap3A_195 {strides = array<i32>} : memref<64x128xi32, #tpu.memory_space<vmem>>, vector<1x16xi32>,
      %mul3A_196 = arith.constant 128 : i32
      %mul3A_197 = arith.muli %scan3A_74, %mul3A_196 : i32
      %add3A_198 = arith.constant 64 : i32
      %add3A_199 = arith.addi %mul3A_197, %add3A_198 : i32
      %get3A_200 = arith.index_cast %add3A_199 : i32 to index
      %get3A_201 = tpu.vector_load %arg7[%get3A_200] {strides = array<i32>} : memref<8192xi32, #tpu.memory_space<vmem>>, vector<16xi32>,
      %get3A_202 = vector.shape_cast %get3A_201 : vector<16xi32> to vector<16xi32>
      %get3A_203 = arith.index_cast %add3A_199 : i32 to index
      %get3A_204 = tpu.vector_load %arg8[%get3A_203] {strides = array<i32>} : memref<8192xi32, #tpu.memory_space<vmem>>, vector<16xi32>,
      %get3A_205 = vector.shape_cast %get3A_204 : vector<16xi32> to vector<16xi32>
      %get3A_206 = arith.index_cast %add3A_199 : i32 to index
      %get3A_207 = tpu.vector_load %arg9[%get3A_206] {strides = array<i32>} : memref<8192xf32, #tpu.memory_space<vmem>>, vector<16xf32>,
      %get3A_208 = vector.shape_cast %get3A_207 : vector<16xf32> to vector<16xf32>
      %add3A_209 = arith.constant 67108864 : i32
      %add3A_210 = arith.addi %add3A_209, %mul3A_2 : i32
      %add3A_211 = arith.addi %add3A_210, %add3A_199 : i32
      %add3A_212 = vector.broadcast %add3A_211 : i32 to vector<16xi32>
      %add3A_213 = arith.addi %add3A_212, %iota3A : vector<16xi32>
      %gt3A_214 = arith.constant 1.000000e-01 : f32
      %gt3A_215 = vector.broadcast %gt3A_214 : f32 to vector<16xf32>
      %gt3A_216 = arith.cmpf ogt, %get3A_208, %gt3A_215 : vector<16xf32>
      %mul3A_217 = arith.constant 8192 : i32
      %mul3A_218 = vector.broadcast %mul3A_217 : i32 to vector<16xi32>
      %mul3A_219 = arith.muli %get3A_202, %mul3A_218 : vector<16xi32>
      %add3A_220 = arith.addi %mul3A_219, %get3A_205 : vector<16xi32>
      %select_n3A_221 = arith.select %gt3A_216, %add3A_220, %add3A_213 : vector<16xi1>, vector<16xi32>
      %swap3A_222 = arith.index_cast %scan3A_74 : i32 to index
      %swap3A_223 = arith.constant 64 : index
      %swap3A_224 = tpu.vector_load %arg10[%swap3A_222, %swap3A_223] {strides = array<i32>} : memref<64x128xi32, #tpu.memory_space<vmem>>, vector<1x16xi32>,
      %swap3A_225 = vector.shape_cast %swap3A_224 : vector<1x16xi32> to vector<16xi32>
      %swap3A_226 = vector.shape_cast %select_n3A_221 : vector<16xi32> to vector<1x16xi32>
      tpu.vector_store %arg10[%swap3A_222, %swap3A_223], %swap3A_226 {strides = array<i32>} : memref<64x128xi32, #tpu.memory_space<vmem>>, vector<1x16xi32>,
      %mul3A_227 = arith.constant 128 : i32
      %mul3A_228 = arith.muli %scan3A_74, %mul3A_227 : i32
      %add3A_229 = arith.constant 80 : i32
      %add3A_230 = arith.addi %mul3A_228, %add3A_229 : i32
      %get3A_231 = arith.index_cast %add3A_230 : i32 to index
      %get3A_232 = tpu.vector_load %arg7[%get3A_231] {strides = array<i32>} : memref<8192xi32, #tpu.memory_space<vmem>>, vector<16xi32>,
      %get3A_233 = vector.shape_cast %get3A_232 : vector<16xi32> to vector<16xi32>
      %get3A_234 = arith.index_cast %add3A_230 : i32 to index
      %get3A_235 = tpu.vector_load %arg8[%get3A_234] {strides = array<i32>} : memref<8192xi32, #tpu.memory_space<vmem>>, vector<16xi32>,
      %get3A_236 = vector.shape_cast %get3A_235 : vector<16xi32> to vector<16xi32>
      %get3A_237 = arith.index_cast %add3A_230 : i32 to index
      %get3A_238 = tpu.vector_load %arg9[%get3A_237] {strides = array<i32>} : memref<8192xf32, #tpu.memory_space<vmem>>, vector<16xf32>,
      %get3A_239 = vector.shape_cast %get3A_238 : vector<16xf32> to vector<16xf32>
      %add3A_240 = arith.constant 67108864 : i32
      %add3A_241 = arith.addi %add3A_240, %mul3A_2 : i32
      %add3A_242 = arith.addi %add3A_241, %add3A_230 : i32
      %add3A_243 = vector.broadcast %add3A_242 : i32 to vector<16xi32>
      %add3A_244 = arith.addi %add3A_243, %iota3A : vector<16xi32>
      %gt3A_245 = arith.constant 1.000000e-01 : f32
      %gt3A_246 = vector.broadcast %gt3A_245 : f32 to vector<16xf32>
      %gt3A_247 = arith.cmpf ogt, %get3A_239, %gt3A_246 : vector<16xf32>
      %mul3A_248 = arith.constant 8192 : i32
      %mul3A_249 = vector.broadcast %mul3A_248 : i32 to vector<16xi32>
      %mul3A_250 = arith.muli %get3A_233, %mul3A_249 : vector<16xi32>
      %add3A_251 = arith.addi %mul3A_250, %get3A_236 : vector<16xi32>
      %select_n3A_252 = arith.select %gt3A_247, %add3A_251, %add3A_244 : vector<16xi1>, vector<16xi32>
      %swap3A_253 = arith.index_cast %scan3A_74 : i32 to index
      %swap3A_254 = arith.constant 80 : index
      %swap3A_255 = tpu.vector_load %arg10[%swap3A_253, %swap3A_254] {strides = array<i32>} : memref<64x128xi32, #tpu.memory_space<vmem>>, vector<1x16xi32>,
      %swap3A_256 = vector.shape_cast %swap3A_255 : vector<1x16xi32> to vector<16xi32>
      %swap3A_257 = vector.shape_cast %select_n3A_252 : vector<16xi32> to vector<1x16xi32>
      tpu.vector_store %arg10[%swap3A_253, %swap3A_254], %swap3A_257 {strides = array<i32>} : memref<64x128xi32, #tpu.memory_space<vmem>>, vector<1x16xi32>,
      %mul3A_258 = arith.constant 128 : i32
      %mul3A_259 = arith.muli %scan3A_74, %mul3A_258 : i32
      %add3A_260 = arith.constant 96 : i32
      %add3A_261 = arith.addi %mul3A_259, %add3A_260 : i32
      %get3A_262 = arith.index_cast %add3A_261 : i32 to index
      %get3A_263 = tpu.vector_load %arg7[%get3A_262] {strides = array<i32>} : memref<8192xi32, #tpu.memory_space<vmem>>, vector<16xi32>,
      %get3A_264 = vector.shape_cast %get3A_263 : vector<16xi32> to vector<16xi32>
      %get3A_265 = arith.index_cast %add3A_261 : i32 to index
      %get3A_266 = tpu.vector_load %arg8[%get3A_265] {strides = array<i32>} : memref<8192xi32, #tpu.memory_space<vmem>>, vector<16xi32>,
      %get3A_267 = vector.shape_cast %get3A_266 : vector<16xi32> to vector<16xi32>
      %get3A_268 = arith.index_cast %add3A_261 : i32 to index
      %get3A_269 = tpu.vector_load %arg9[%get3A_268] {strides = array<i32>} : memref<8192xf32, #tpu.memory_space<vmem>>, vector<16xf32>,
      %get3A_270 = vector.shape_cast %get3A_269 : vector<16xf32> to vector<16xf32>
      %add3A_271 = arith.constant 67108864 : i32
      %add3A_272 = arith.addi %add3A_271, %mul3A_2 : i32
      %add3A_273 = arith.addi %add3A_272, %add3A_261 : i32
      %add3A_274 = vector.broadcast %add3A_273 : i32 to vector<16xi32>
      %add3A_275 = arith.addi %add3A_274, %iota3A : vector<16xi32>
      %gt3A_276 = arith.constant 1.000000e-01 : f32
      %gt3A_277 = vector.broadcast %gt3A_276 : f32 to vector<16xf32>
      %gt3A_278 = arith.cmpf ogt, %get3A_270, %gt3A_277 : vector<16xf32>
      %mul3A_279 = arith.constant 8192 : i32
      %mul3A_280 = vector.broadcast %mul3A_279 : i32 to vector<16xi32>
      %mul3A_281 = arith.muli %get3A_264, %mul3A_280 : vector<16xi32>
      %add3A_282 = arith.addi %mul3A_281, %get3A_267 : vector<16xi32>
      %select_n3A_283 = arith.select %gt3A_278, %add3A_282, %add3A_275 : vector<16xi1>, vector<16xi32>
      %swap3A_284 = arith.index_cast %scan3A_74 : i32 to index
      %swap3A_285 = arith.constant 96 : index
      %swap3A_286 = tpu.vector_load %arg10[%swap3A_284, %swap3A_285] {strides = array<i32>} : memref<64x128xi32, #tpu.memory_space<vmem>>, vector<1x16xi32>,
      %swap3A_287 = vector.shape_cast %swap3A_286 : vector<1x16xi32> to vector<16xi32>
      %swap3A_288 = vector.shape_cast %select_n3A_283 : vector<16xi32> to vector<1x16xi32>
      tpu.vector_store %arg10[%swap3A_284, %swap3A_285], %swap3A_288 {strides = array<i32>} : memref<64x128xi32, #tpu.memory_space<vmem>>, vector<1x16xi32>,
      %mul3A_289 = arith.constant 128 : i32
      %mul3A_290 = arith.muli %scan3A_74, %mul3A_289 : i32
      %add3A_291 = arith.constant 112 : i32
      %add3A_292 = arith.addi %mul3A_290, %add3A_291 : i32
      %get3A_293 = arith.index_cast %add3A_292 : i32 to index
      %get3A_294 = tpu.vector_load %arg7[%get3A_293] {strides = array<i32>} : memref<8192xi32, #tpu.memory_space<vmem>>, vector<16xi32>,
      %get3A_295 = vector.shape_cast %get3A_294 : vector<16xi32> to vector<16xi32>
      %get3A_296 = arith.index_cast %add3A_292 : i32 to index
      %get3A_297 = tpu.vector_load %arg8[%get3A_296] {strides = array<i32>} : memref<8192xi32, #tpu.memory_space<vmem>>, vector<16xi32>,
      %get3A_298 = vector.shape_cast %get3A_297 : vector<16xi32> to vector<16xi32>
      %get3A_299 = arith.index_cast %add3A_292 : i32 to index
      %get3A_300 = tpu.vector_load %arg9[%get3A_299] {strides = array<i32>} : memref<8192xf32, #tpu.memory_space<vmem>>, vector<16xf32>,
      %get3A_301 = vector.shape_cast %get3A_300 : vector<16xf32> to vector<16xf32>
      %add3A_302 = arith.constant 67108864 : i32
      %add3A_303 = arith.addi %add3A_302, %mul3A_2 : i32
      %add3A_304 = arith.addi %add3A_303, %add3A_292 : i32
      %add3A_305 = vector.broadcast %add3A_304 : i32 to vector<16xi32>
      %add3A_306 = arith.addi %add3A_305, %iota3A : vector<16xi32>
      %gt3A_307 = arith.constant 1.000000e-01 : f32
      %gt3A_308 = vector.broadcast %gt3A_307 : f32 to vector<16xf32>
      %gt3A_309 = arith.cmpf ogt, %get3A_301, %gt3A_308 : vector<16xf32>
      %mul3A_310 = arith.constant 8192 : i32
      %mul3A_311 = vector.broadcast %mul3A_310 : i32 to vector<16xi32>
      %mul3A_312 = arith.muli %get3A_295, %mul3A_311 : vector<16xi32>
      %add3A_313 = arith.addi %mul3A_312, %get3A_298 : vector<16xi32>
      %select_n3A_314 = arith.select %gt3A_309, %add3A_313, %add3A_306 : vector<16xi1>, vector<16xi32>
      %swap3A_315 = arith.index_cast %scan3A_74 : i32 to index
      %swap3A_316 = arith.constant 112 : index
      %swap3A_317 = tpu.vector_load %arg10[%swap3A_315, %swap3A_316] {strides = array<i32>} : memref<64x128xi32, #tpu.memory_space<vmem>>, vector<1x16xi32>,
      %swap3A_318 = vector.shape_cast %swap3A_317 : vector<1x16xi32> to vector<16xi32>
      %swap3A_319 = vector.shape_cast %select_n3A_314 : vector<16xi32> to vector<1x16xi32>
      tpu.vector_store %arg10[%swap3A_315, %swap3A_316], %swap3A_319 {strides = array<i32>} : memref<64x128xi32, #tpu.memory_space<vmem>>, vector<1x16xi32>,
    }
    %scan3A_53 = arith.constant 64 : i32
    %scan3A_54 = arith.constant 0 : i32
    %scan3A_55 = arith.constant 0 : i32
    %scan3A_56 = arith.constant 64 : i32
    %scan3A_57 = arith.addi %scan3A_55, %scan3A_56 : i32
    %scan3A_58 = arith.constant 1 : i32
    scf.for %scan3A_74 = %scan3A_55 to %scan3A_57 step %scan3A_58  : i32 {
      %dma_start3A = arith.constant 0 : i32
      %dma_start3A_75 = tpu.memref_slice %arg10[%scan3A_74, %dma_start3A] : memref<64x128xi32, #tpu.memory_space<vmem>> -> memref<1x128xi32, #tpu.memory_space<vmem>>
      %dma_start3A_76 = tpu.memref_squeeze %dma_start3A_75 : memref<1x128xi32, #tpu.memory_space<vmem>> -> memref<128xi32, #tpu.memory_space<vmem>>
      %dma_start3A_77 = arith.constant 0 : i32
      %dma_start3A_78 = tpu.memref_slice %arg5[%dma_start3A_77] : memref<71303168xf32, #tpu.memory_space<hbm>> -> memref<71303168xf32, #tpu.memory_space<hbm>>
      tpu.enqueue_indirect_dma source(%arg11 : memref<128xf32, #tpu.memory_space<vmem>>) target(%dma_start3A_78 : memref<71303168xf32, #tpu.memory_space<hbm>>) offsets(%dma_start3A_76 : memref<128xi32, #tpu.memory_space<vmem>>) semaphore(%arg13 : memref<!tpu.dma_semaphore, #tpu.memory_space<semaphore_mem>>)
    }
    %scan3A_59 = arith.constant 64 : i32
    %scan3A_60 = arith.constant 0 : i32
    %scan3A_61 = arith.constant 0 : i32
    %scan3A_62 = arith.constant 64 : i32
    %scan3A_63 = arith.addi %scan3A_61, %scan3A_62 : i32
    %scan3A_64 = arith.constant 1 : i32
    scf.for %scan3A_74 = %scan3A_61 to %scan3A_63 step %scan3A_64  : i32 {
      %dma_wait3A = arith.constant 0 : i32
      %dma_wait3A_75 = arith.constant 0 : i32
      %dma_wait3A_76 = tpu.memref_slice %arg10[%dma_wait3A, %dma_wait3A_75] : memref<64x128xi32, #tpu.memory_space<vmem>> -> memref<1x128xi32, #tpu.memory_space<vmem>>
      %dma_wait3A_77 = tpu.memref_squeeze %dma_wait3A_76 : memref<1x128xi32, #tpu.memory_space<vmem>> -> memref<128xi32, #tpu.memory_space<vmem>>
      %dma_wait3A_78 = arith.constant 0 : i32
      %dma_wait3A_79 = tpu.memref_slice %arg5[%dma_wait3A_78] : memref<71303168xf32, #tpu.memory_space<hbm>> -> memref<71303168xf32, #tpu.memory_space<hbm>>
      tpu.wait_indirect_dma semaphore(%arg13 : memref<!tpu.dma_semaphore, #tpu.memory_space<semaphore_mem>>) src(%arg11 : memref<128xf32, #tpu.memory_space<vmem>>) dst(%dma_wait3A_79 : memref<71303168xf32, #tpu.memory_space<hbm>>)
    }
    %scan3A_65 = arith.constant 64 : i32
    %broadcast_in_dim3A_66 = arith.constant 1.000000e+00 : f32
    %broadcast_in_dim3A_67 = vector.broadcast %broadcast_in_dim3A_66 : f32 to vector<16xf32>
    %swap3A_68 = arith.constant 0 : index
    %swap3A_69 = tpu.vector_load %arg12[%swap3A_68] {strides = array<i32>} : memref<16xf32, #tpu.memory_space<vmem>>, vector<16xf32>,
    %swap3A_70 = vector.shape_cast %swap3A_69 : vector<16xf32> to vector<16xf32>
    %swap3A_71 = vector.shape_cast %broadcast_in_dim3A_67 : vector<16xf32> to vector<16xf32>
    tpu.vector_store %arg12[%swap3A_68], %swap3A_71 {strides = array<i32>} : memref<16xf32, #tpu.memory_space<vmem>>, vector<16xf32>,
    %mul3A_72 = arith.constant 16 : i32
    %mul3A_73 = arith.muli %add3A, %mul3A_72 : i32
    "tpu.region"() ({
      %run_scoped3A = tpu.sem_alloc : memref<!tpu.dma_semaphore, #tpu.memory_space<semaphore_mem>>
      %dma_start3A = tpu.memref_slice %arg6[%mul3A_73] : memref<512xf32, #tpu.memory_space<hbm>> -> memref<16xf32, #tpu.memory_space<hbm>>
      %dma_start3A_74 = tpu.memref_slice %arg6[%mul3A_73] : memref<512xf32, #tpu.memory_space<hbm>> -> memref<16xf32, #tpu.memory_space<hbm>>
      tpu.enqueue_dma source(%arg12 : memref<16xf32, #tpu.memory_space<vmem>>) target(%dma_start3A_74 : memref<16xf32, #tpu.memory_space<hbm>>) target_semaphore(%run_scoped3A : memref<!tpu.dma_semaphore, #tpu.memory_space<semaphore_mem>>)
      %dma_wait3A = tpu.memref_slice %arg6[%mul3A_73] : memref<512xf32, #tpu.memory_space<hbm>> -> memref<16xf32, #tpu.memory_space<hbm>>
      %dma_wait3A_75 = tpu.memref_slice %arg6[%mul3A_73] : memref<512xf32, #tpu.memory_space<hbm>> -> memref<16xf32, #tpu.memory_space<hbm>>
      tpu.wait_dma2 semaphore(%run_scoped3A : memref<!tpu.dma_semaphore, #tpu.memory_space<semaphore_mem>>) src(%arg12 : memref<16xf32, #tpu.memory_space<vmem>>) dst(%dma_wait3A_75 : memref<16xf32, #tpu.memory_space<hbm>>)
      tpu.yield
    }) : () -> ()
    return
  }
}

module attributes {stable_mosaic.version = 14 : i64} {
  func.func @_memset_body(%arg0: i32, %arg1: memref<4194304xf32, #tpu.memory_space<vmem>>) attributes {dimension_semantics = [#tpu.dimension_semantics<arbitrary>], iteration_bounds = array<i64: 17>, scalar_prefetch = 0 : i64, scratch_operands = 0 : i64, tpu.core_type = #tpu.core_type<tc>, window_params = [{transform_indices = @transform_0, window_bounds = array<i64: 4194304>}]} {
    %broadcast_in_dim3A = arith.constant 0.000000e+00 : f32
    %broadcast_in_dim3A_0 = vector.broadcast %broadcast_in_dim3A : f32 to vector<4194304xf32>
    %swap3A = arith.constant 0 : index
    %swap3A_1 = vector.load %arg1[%swap3A] : memref<4194304xf32, #tpu.memory_space<vmem>>, vector<4194304xf32>
    tpu.vector_store %arg1[%swap3A], %broadcast_in_dim3A_0 {strides = array<i32>} : memref<4194304xf32, #tpu.memory_space<vmem>>, vector<4194304xf32>,
    return
  }
  func.func @transform_0(%arg0: i32) -> i32 {
    %c0_i32 = arith.constant 0 : i32
    return %arg0 : i32
  }
}

module attributes {stable_mosaic.version = 14 : i64} {
  func.func @_finalize_body(%arg0: i32, %arg1: memref<3x16384xf32, #tpu.memory_space<vmem>>, %arg2: memref<3x16384xf32, #tpu.memory_space<vmem>>, %arg3: memref<4x4xf32, #tpu.memory_space<vmem>>, %arg4: memref<4x4xf32, #tpu.memory_space<vmem>>, %arg5: memref<1x1xf32, #tpu.memory_space<vmem>>, %arg6: memref<1x1xf32, #tpu.memory_space<vmem>>, %arg7: memref<1x1xf32, #tpu.memory_space<vmem>>, %arg8: memref<1x1xf32, #tpu.memory_space<vmem>>) attributes {dimension_semantics = [#tpu.dimension_semantics<arbitrary>], iteration_bounds = array<i64: 8>, scalar_prefetch = 0 : i64, scratch_operands = 0 : i64, tpu.core_type = #tpu.core_type<tc>, window_params = [{transform_indices = @transform_0, window_bounds = array<i64: 3, 16384>}, {transform_indices = @transform_1, window_bounds = array<i64: 3, 16384>}, {pipeline_mode = #tpu.pipeline_mode<synchronous>, transform_indices = @transform_2, window_bounds = array<i64: 4, 4>}, {pipeline_mode = #tpu.pipeline_mode<synchronous>, transform_indices = @transform_3, window_bounds = array<i64: 4, 4>}, {pipeline_mode = #tpu.pipeline_mode<synchronous>, transform_indices = @transform_4, window_bounds = array<i64: 1, 1>}, {pipeline_mode = #tpu.pipeline_mode<synchronous>, transform_indices = @transform_5, window_bounds = array<i64: 1, 1>}, {pipeline_mode = #tpu.pipeline_mode<synchronous>, transform_indices = @transform_6, window_bounds = array<i64: 1, 1>}, {pipeline_mode = #tpu.pipeline_mode<synchronous>, transform_indices = @transform_7, window_bounds = array<i64: 1, 1>}]} {
    %get3A = arith.constant 0 : index
    %get3A_0 = arith.constant 0 : index
    %get3A_1 = vector.load %arg3[%get3A, %get3A_0] : memref<4x4xf32, #tpu.memory_space<vmem>>, vector<4x4xf32>
    %convert_element_type3A = arith.truncf %get3A_1 : vector<4x4xf32> to vector<4x4xbf16>
    %convert_element_type3A_2 = arith.extf %convert_element_type3A : vector<4x4xbf16> to vector<4x4xf32>
    %get3A_3 = arith.constant 0 : index
    %get3A_4 = arith.constant 0 : index
    %get3A_5 = vector.load %arg2[%get3A_3, %get3A_4] : memref<3x16384xf32, #tpu.memory_space<vmem>>, vector<1x16384xf32>
    %get3A_6 = vector.shape_cast %get3A_5 : vector<1x16384xf32> to vector<16384xf32>
    %convert_element_type3A_7 = arith.truncf %get3A_6 : vector<16384xf32> to vector<16384xbf16>
    %convert_element_type3A_8 = arith.extf %convert_element_type3A_7 : vector<16384xbf16> to vector<16384xf32>
    %get3A_9 = arith.constant 1 : index
    %get3A_10 = arith.constant 0 : index
    %get3A_11 = vector.load %arg2[%get3A_9, %get3A_10] : memref<3x16384xf32, #tpu.memory_space<vmem>>, vector<1x16384xf32>
    %get3A_12 = vector.shape_cast %get3A_11 : vector<1x16384xf32> to vector<16384xf32>
    %convert_element_type3A_13 = arith.truncf %get3A_12 : vector<16384xf32> to vector<16384xbf16>
    %convert_element_type3A_14 = arith.extf %convert_element_type3A_13 : vector<16384xbf16> to vector<16384xf32>
    %get3A_15 = arith.constant 2 : index
    %get3A_16 = arith.constant 0 : index
    %get3A_17 = vector.load %arg2[%get3A_15, %get3A_16] : memref<3x16384xf32, #tpu.memory_space<vmem>>, vector<1x16384xf32>
    %get3A_18 = vector.shape_cast %get3A_17 : vector<1x16384xf32> to vector<16384xf32>
    %convert_element_type3A_19 = arith.truncf %get3A_18 : vector<16384xf32> to vector<16384xbf16>
    %convert_element_type3A_20 = arith.extf %convert_element_type3A_19 : vector<16384xbf16> to vector<16384xf32>
    %slice3A = vector.extract_strided_slice %convert_element_type3A_2 {offsets = [0, 0], sizes = [1, 1], strides = [1, 1]} : vector<4x4xf32> to vector<1x1xf32>
    %squeeze3A = vector.extract %slice3A[0, 0] : f32 from vector<1x1xf32>
    %mul3A = vector.broadcast %squeeze3A : f32 to vector<16384xf32>
    %mul3A_21 = arith.mulf %mul3A, %convert_element_type3A_8 : vector<16384xf32>
    %slice3A_22 = vector.extract_strided_slice %convert_element_type3A_2 {offsets = [0, 1], sizes = [1, 1], strides = [1, 1]} : vector<4x4xf32> to vector<1x1xf32>
    %squeeze3A_23 = vector.extract %slice3A_22[0, 0] : f32 from vector<1x1xf32>
    %mul3A_24 = vector.broadcast %squeeze3A_23 : f32 to vector<16384xf32>
    %mul3A_25 = arith.mulf %mul3A_24, %convert_element_type3A_14 : vector<16384xf32>
    %add3A = arith.addf %mul3A_21, %mul3A_25 : vector<16384xf32>
    %slice3A_26 = vector.extract_strided_slice %convert_element_type3A_2 {offsets = [0, 2], sizes = [1, 1], strides = [1, 1]} : vector<4x4xf32> to vector<1x1xf32>
    %squeeze3A_27 = vector.extract %slice3A_26[0, 0] : f32 from vector<1x1xf32>
    %mul3A_28 = vector.broadcast %squeeze3A_27 : f32 to vector<16384xf32>
    %mul3A_29 = arith.mulf %mul3A_28, %convert_element_type3A_20 : vector<16384xf32>
    %add3A_30 = arith.addf %add3A, %mul3A_29 : vector<16384xf32>
    %slice3A_31 = vector.extract_strided_slice %get3A_1 {offsets = [0, 3], sizes = [1, 1], strides = [1, 1]} : vector<4x4xf32> to vector<1x1xf32>
    %squeeze3A_32 = vector.extract %slice3A_31[0, 0] : f32 from vector<1x1xf32>
    %add3A_33 = vector.broadcast %squeeze3A_32 : f32 to vector<16384xf32>
    %add3A_34 = arith.addf %add3A_30, %add3A_33 : vector<16384xf32>
    %slice3A_35 = vector.extract_strided_slice %convert_element_type3A_2 {offsets = [1, 0], sizes = [1, 1], strides = [1, 1]} : vector<4x4xf32> to vector<1x1xf32>
    %squeeze3A_36 = vector.extract %slice3A_35[0, 0] : f32 from vector<1x1xf32>
    %mul3A_37 = vector.broadcast %squeeze3A_36 : f32 to vector<16384xf32>
    %mul3A_38 = arith.mulf %mul3A_37, %convert_element_type3A_8 : vector<16384xf32>
    %slice3A_39 = vector.extract_strided_slice %convert_element_type3A_2 {offsets = [1, 1], sizes = [1, 1], strides = [1, 1]} : vector<4x4xf32> to vector<1x1xf32>
    %squeeze3A_40 = vector.extract %slice3A_39[0, 0] : f32 from vector<1x1xf32>
    %mul3A_41 = vector.broadcast %squeeze3A_40 : f32 to vector<16384xf32>
    %mul3A_42 = arith.mulf %mul3A_41, %convert_element_type3A_14 : vector<16384xf32>
    %add3A_43 = arith.addf %mul3A_38, %mul3A_42 : vector<16384xf32>
    %slice3A_44 = vector.extract_strided_slice %convert_element_type3A_2 {offsets = [1, 2], sizes = [1, 1], strides = [1, 1]} : vector<4x4xf32> to vector<1x1xf32>
    %squeeze3A_45 = vector.extract %slice3A_44[0, 0] : f32 from vector<1x1xf32>
    %mul3A_46 = vector.broadcast %squeeze3A_45 : f32 to vector<16384xf32>
    %mul3A_47 = arith.mulf %mul3A_46, %convert_element_type3A_20 : vector<16384xf32>
    %add3A_48 = arith.addf %add3A_43, %mul3A_47 : vector<16384xf32>
    %slice3A_49 = vector.extract_strided_slice %get3A_1 {offsets = [1, 3], sizes = [1, 1], strides = [1, 1]} : vector<4x4xf32> to vector<1x1xf32>
    %squeeze3A_50 = vector.extract %slice3A_49[0, 0] : f32 from vector<1x1xf32>
    %add3A_51 = vector.broadcast %squeeze3A_50 : f32 to vector<16384xf32>
    %add3A_52 = arith.addf %add3A_48, %add3A_51 : vector<16384xf32>
    %slice3A_53 = vector.extract_strided_slice %convert_element_type3A_2 {offsets = [2, 0], sizes = [1, 1], strides = [1, 1]} : vector<4x4xf32> to vector<1x1xf32>
    %squeeze3A_54 = vector.extract %slice3A_53[0, 0] : f32 from vector<1x1xf32>
    %mul3A_55 = vector.broadcast %squeeze3A_54 : f32 to vector<16384xf32>
    %mul3A_56 = arith.mulf %mul3A_55, %convert_element_type3A_8 : vector<16384xf32>
    %slice3A_57 = vector.extract_strided_slice %convert_element_type3A_2 {offsets = [2, 1], sizes = [1, 1], strides = [1, 1]} : vector<4x4xf32> to vector<1x1xf32>
    %squeeze3A_58 = vector.extract %slice3A_57[0, 0] : f32 from vector<1x1xf32>
    %mul3A_59 = vector.broadcast %squeeze3A_58 : f32 to vector<16384xf32>
    %mul3A_60 = arith.mulf %mul3A_59, %convert_element_type3A_14 : vector<16384xf32>
    %add3A_61 = arith.addf %mul3A_56, %mul3A_60 : vector<16384xf32>
    %slice3A_62 = vector.extract_strided_slice %convert_element_type3A_2 {offsets = [2, 2], sizes = [1, 1], strides = [1, 1]} : vector<4x4xf32> to vector<1x1xf32>
    %squeeze3A_63 = vector.extract %slice3A_62[0, 0] : f32 from vector<1x1xf32>
    %mul3A_64 = vector.broadcast %squeeze3A_63 : f32 to vector<16384xf32>
    %mul3A_65 = arith.mulf %mul3A_64, %convert_element_type3A_20 : vector<16384xf32>
    %add3A_66 = arith.addf %add3A_61, %mul3A_65 : vector<16384xf32>
    %slice3A_67 = vector.extract_strided_slice %get3A_1 {offsets = [2, 3], sizes = [1, 1], strides = [1, 1]} : vector<4x4xf32> to vector<1x1xf32>
    %squeeze3A_68 = vector.extract %slice3A_67[0, 0] : f32 from vector<1x1xf32>
    %add3A_69 = vector.broadcast %squeeze3A_68 : f32 to vector<16384xf32>
    %add3A_70 = arith.addf %add3A_66, %add3A_69 : vector<16384xf32>
    %get3A_71 = arith.constant 0 : index
    %get3A_72 = arith.constant 0 : index
    %get3A_73 = vector.load %arg1[%get3A_71, %get3A_72] : memref<3x16384xf32, #tpu.memory_space<vmem>>, vector<1x16384xf32>
    %get3A_74 = vector.shape_cast %get3A_73 : vector<1x16384xf32> to vector<16384xf32>
    %sub3A = arith.subf %get3A_74, %add3A_34 : vector<16384xf32>
    %get3A_75 = arith.constant 1 : index
    %get3A_76 = arith.constant 0 : index
    %get3A_77 = vector.load %arg1[%get3A_75, %get3A_76] : memref<3x16384xf32, #tpu.memory_space<vmem>>, vector<1x16384xf32>
    %get3A_78 = vector.shape_cast %get3A_77 : vector<1x16384xf32> to vector<16384xf32>
    %sub3A_79 = arith.subf %get3A_78, %add3A_52 : vector<16384xf32>
    %get3A_80 = arith.constant 2 : index
    %get3A_81 = arith.constant 0 : index
    %get3A_82 = vector.load %arg1[%get3A_80, %get3A_81] : memref<3x16384xf32, #tpu.memory_space<vmem>>, vector<1x16384xf32>
    %get3A_83 = vector.shape_cast %get3A_82 : vector<1x16384xf32> to vector<16384xf32>
    %sub3A_84 = arith.subf %get3A_83, %add3A_70 : vector<16384xf32>
    %mul3A_85 = arith.mulf %sub3A, %sub3A : vector<16384xf32>
    %mul3A_86 = arith.mulf %sub3A_79, %sub3A_79 : vector<16384xf32>
    %add3A_87 = arith.addf %mul3A_85, %mul3A_86 : vector<16384xf32>
    %mul3A_88 = arith.mulf %sub3A_84, %sub3A_84 : vector<16384xf32>
    %add3A_89 = arith.addf %add3A_87, %mul3A_88 : vector<16384xf32>
    %sqrt3A = math.sqrt %add3A_89 : vector<16384xf32>
    %lt3A = arith.constant 1.000000e-01 : f32
    %lt3A_90 = vector.broadcast %lt3A : f32 to vector<16384xf32>
    %lt3A_91 = arith.cmpf olt, %sqrt3A, %lt3A_90 : vector<16384xf32>
    %convert_element_type3A_92 = arith.extui %lt3A_91 : vector<16384xi1> to vector<16384xi32>
    %convert_element_type3A_93 = arith.sitofp %convert_element_type3A_92 : vector<16384xi32> to vector<16384xf32>
    %reduce_sum3A = vector.shape_cast %convert_element_type3A_93 : vector<16384xf32> to vector<1x16384xf32>
    %reduce_sum3A_94 = arith.constant dense<0.000000e+00> : vector<1xf32>
    %reduce_sum3A_95 = vector.multi_reduction <add>, %reduce_sum3A, %reduce_sum3A_94 [1] : vector<1x16384xf32> to vector<1xf32>
    %reduce_sum3A_96 = vector.shape_cast %reduce_sum3A_95 : vector<1xf32> to vector<1x1xf32>
    %reduce_sum3A_97 = vector.extract %reduce_sum3A_96[0, 0] : f32 from vector<1x1xf32>
    %eq3A = arith.constant 0 : i32
    %eq3A_98 = arith.cmpi eq, %arg0, %eq3A : i32
    %convert_element_type3A_99 = arith.extui %eq3A_98 : i1 to i32
    %cond3A = arith.constant 0 : i32
    %cond3A_100 = arith.cmpi ne, %convert_element_type3A_99, %cond3A : i32
    scf.if %cond3A_100 {
      %broadcast_in_dim3A = arith.constant 0.000000e+00 : f32
      %broadcast_in_dim3A_113 = vector.broadcast %broadcast_in_dim3A : f32 to vector<1x1xf32>
      %swap3A_114 = arith.constant 0 : index
      %swap3A_115 = arith.constant 0 : index
      %swap3A_116 = vector.load %arg5[%swap3A_114, %swap3A_115] : memref<1x1xf32, #tpu.memory_space<vmem>>, vector<1x1xf32>
      tpu.vector_store %arg5[%swap3A_114, %swap3A_115], %broadcast_in_dim3A_113 {strides = array<i32>} : memref<1x1xf32, #tpu.memory_space<vmem>>, vector<1x1xf32>,
      %get3A_117 = arith.constant 0 : index
      %get3A_118 = arith.constant 0 : index
      %get3A_119 = vector.load %arg4[%get3A_117, %get3A_118] : memref<4x4xf32, #tpu.memory_space<vmem>>, vector<4x4xf32>
      %convert_element_type3A_120 = arith.truncf %get3A_119 : vector<4x4xf32> to vector<4x4xbf16>
      %convert_element_type3A_121 = arith.extf %convert_element_type3A_120 : vector<4x4xbf16> to vector<4x4xf32>
      %mul3A_122 = arith.mulf %convert_element_type3A_2, %convert_element_type3A_121 : vector<4x4xf32>
      %slice3A_123 = vector.extract_strided_slice %mul3A_122 {offsets = [0, 0], sizes = [1, 1], strides = [1, 1]} : vector<4x4xf32> to vector<1x1xf32>
      %squeeze3A_124 = vector.extract %slice3A_123[0, 0] : f32 from vector<1x1xf32>
      %slice3A_125 = vector.extract_strided_slice %mul3A_122 {offsets = [1, 0], sizes = [1, 1], strides = [1, 1]} : vector<4x4xf32> to vector<1x1xf32>
      %squeeze3A_126 = vector.extract %slice3A_125[0, 0] : f32 from vector<1x1xf32>
      %add3A_127 = arith.addf %squeeze3A_124, %squeeze3A_126 : f32
      %slice3A_128 = vector.extract_strided_slice %mul3A_122 {offsets = [2, 0], sizes = [1, 1], strides = [1, 1]} : vector<4x4xf32> to vector<1x1xf32>
      %squeeze3A_129 = vector.extract %slice3A_128[0, 0] : f32 from vector<1x1xf32>
      %add3A_130 = arith.addf %add3A_127, %squeeze3A_129 : f32
      %slice3A_131 = vector.extract_strided_slice %mul3A_122 {offsets = [0, 1], sizes = [1, 1], strides = [1, 1]} : vector<4x4xf32> to vector<1x1xf32>
      %squeeze3A_132 = vector.extract %slice3A_131[0, 0] : f32 from vector<1x1xf32>
      %slice3A_133 = vector.extract_strided_slice %mul3A_122 {offsets = [1, 1], sizes = [1, 1], strides = [1, 1]} : vector<4x4xf32> to vector<1x1xf32>
      %squeeze3A_134 = vector.extract %slice3A_133[0, 0] : f32 from vector<1x1xf32>
      %add3A_135 = arith.addf %squeeze3A_132, %squeeze3A_134 : f32
      %slice3A_136 = vector.extract_strided_slice %mul3A_122 {offsets = [2, 1], sizes = [1, 1], strides = [1, 1]} : vector<4x4xf32> to vector<1x1xf32>
      %squeeze3A_137 = vector.extract %slice3A_136[0, 0] : f32 from vector<1x1xf32>
      %add3A_138 = arith.addf %add3A_135, %squeeze3A_137 : f32
      %slice3A_139 = vector.extract_strided_slice %mul3A_122 {offsets = [0, 2], sizes = [1, 1], strides = [1, 1]} : vector<4x4xf32> to vector<1x1xf32>
      %squeeze3A_140 = vector.extract %slice3A_139[0, 0] : f32 from vector<1x1xf32>
      %slice3A_141 = vector.extract_strided_slice %mul3A_122 {offsets = [1, 2], sizes = [1, 1], strides = [1, 1]} : vector<4x4xf32> to vector<1x1xf32>
      %squeeze3A_142 = vector.extract %slice3A_141[0, 0] : f32 from vector<1x1xf32>
      %add3A_143 = arith.addf %squeeze3A_140, %squeeze3A_142 : f32
      %slice3A_144 = vector.extract_strided_slice %mul3A_122 {offsets = [2, 2], sizes = [1, 1], strides = [1, 1]} : vector<4x4xf32> to vector<1x1xf32>
      %squeeze3A_145 = vector.extract %slice3A_144[0, 0] : f32 from vector<1x1xf32>
      %add3A_146 = arith.addf %add3A_143, %squeeze3A_145 : f32
      %add3A_147 = arith.addf %add3A_130, %add3A_138 : f32
      %add3A_148 = arith.addf %add3A_147, %add3A_146 : f32
      %sub3A_149 = arith.constant 1.000000e+00 : f32
      %sub3A_150 = arith.subf %add3A_148, %sub3A_149 : f32
      %mul3A_151 = arith.constant 5.000000e-01 : f32
      %mul3A_152 = arith.mulf %mul3A_151, %sub3A_150 : f32
      %jit3A = arith.constant -1.000000e+00 : f32
      %jit3A_153 = arith.constant 1.000000e+00 : f32
      %max3A = arith.maximumf %jit3A, %mul3A_152 : f32
      %min3A = arith.minimumf %jit3A_153, %max3A : f32
      %eq3A_154 = arith.constant -1.000000e+00 : f32
      %eq3A_155 = arith.cmpf oeq, %min3A, %eq3A_154 : f32
      %mul3A_156 = arith.mulf %min3A, %min3A : f32
      %sub3A_157 = arith.constant 1.000000e+00 : f32
      %sub3A_158 = arith.subf %sub3A_157, %mul3A_156 : f32
      %max3A_159 = arith.constant 0.000000e+00 : f32
      %max3A_160 = arith.maximumf %sub3A_158, %max3A_159 : f32
      %sqrt3A_161 = math.sqrt %max3A_160 : f32
      %add3A_162 = arith.constant 1.000000e+00 : f32
      %add3A_163 = arith.addf %add3A_162, %min3A : f32
      %atan23A = math.atan2 %sqrt3A_161, %add3A_163 : f32
      %mul3A_164 = arith.constant 2.000000e+00 : f32
      %mul3A_165 = arith.mulf %mul3A_164, %atan23A : f32
      %mul3A_166 = arith.constant 57.2957802 : f32
      %mul3A_167 = arith.mulf %mul3A_165, %mul3A_166 : f32
      %jit3A_168 = arith.constant 1.800000e+02 : f32
      %select_n3A = arith.select %eq3A_155, %jit3A_168, %mul3A_167 : f32
      %slice3A_169 = vector.extract_strided_slice %get3A_1 {offsets = [0, 3], sizes = [3, 1], strides = [1, 1]} : vector<4x4xf32> to vector<3x1xf32>
      %squeeze3A_170 = vector.shape_cast %slice3A_169 : vector<3x1xf32> to vector<3xf32>
      %slice3A_171 = vector.extract_strided_slice %get3A_119 {offsets = [0, 3], sizes = [3, 1], strides = [1, 1]} : vector<4x4xf32> to vector<3x1xf32>
      %squeeze3A_172 = vector.shape_cast %slice3A_171 : vector<3x1xf32> to vector<3xf32>
      %sub3A_173 = arith.subf %squeeze3A_170, %squeeze3A_172 : vector<3xf32>
      %mul3A_174 = arith.mulf %sub3A_173, %sub3A_173 : vector<3xf32>
      %reduce_sum3A_175 = vector.shape_cast %mul3A_174 : vector<3xf32> to vector<1x3xf32>
      %reduce_sum3A_176 = arith.constant dense<0.000000e+00> : vector<1xf32>
      %reduce_sum3A_177 = vector.multi_reduction <add>, %reduce_sum3A_175, %reduce_sum3A_176 [1] : vector<1x3xf32> to vector<1xf32>
      %reduce_sum3A_178 = vector.shape_cast %reduce_sum3A_177 : vector<1xf32> to vector<1x1xf32>
      %reduce_sum3A_179 = vector.extract %reduce_sum3A_178[0, 0] : f32 from vector<1x1xf32>
      %sqrt3A_180 = math.sqrt %reduce_sum3A_179 : f32
      %broadcast_in_dim3A_181 = vector.broadcast %select_n3A : f32 to vector<1x1xf32>
      %swap3A_182 = arith.constant 0 : index
      %swap3A_183 = arith.constant 0 : index
      %swap3A_184 = vector.load %arg6[%swap3A_182, %swap3A_183] : memref<1x1xf32, #tpu.memory_space<vmem>>, vector<1x1xf32>
      tpu.vector_store %arg6[%swap3A_182, %swap3A_183], %broadcast_in_dim3A_181 {strides = array<i32>} : memref<1x1xf32, #tpu.memory_space<vmem>>, vector<1x1xf32>,
      %broadcast_in_dim3A_185 = vector.broadcast %sqrt3A_180 : f32 to vector<1x1xf32>
      %swap3A_186 = arith.constant 0 : index
      %swap3A_187 = arith.constant 0 : index
      %swap3A_188 = vector.load %arg7[%swap3A_186, %swap3A_187] : memref<1x1xf32, #tpu.memory_space<vmem>>, vector<1x1xf32>
      tpu.vector_store %arg7[%swap3A_186, %swap3A_187], %broadcast_in_dim3A_185 {strides = array<i32>} : memref<1x1xf32, #tpu.memory_space<vmem>>, vector<1x1xf32>,
      %lt3A_189 = arith.constant 1.500000e+01 : f32
      %lt3A_190 = arith.cmpf olt, %select_n3A, %lt3A_189 : f32
      %lt3A_191 = arith.constant 3.000000e-01 : f32
      %lt3A_192 = arith.cmpf olt, %sqrt3A_180, %lt3A_191 : f32
      %and3A = arith.andi %lt3A_190, %lt3A_192 : i1
      %broadcast_in_dim3A_193 = arith.constant 1.000000e+00 : f32
      %broadcast_in_dim3A_194 = vector.broadcast %broadcast_in_dim3A_193 : f32 to vector<1x1xf32>
      %broadcast_in_dim3A_195 = arith.constant 0.000000e+00 : f32
      %broadcast_in_dim3A_196 = vector.broadcast %broadcast_in_dim3A_195 : f32 to vector<1x1xf32>
      %select_n3A_197 = arith.select %and3A, %broadcast_in_dim3A_194, %broadcast_in_dim3A_196 : vector<1x1xf32>
      %swap3A_198 = arith.constant 0 : index
      %swap3A_199 = arith.constant 0 : index
      %swap3A_200 = vector.load %arg8[%swap3A_198, %swap3A_199] : memref<1x1xf32, #tpu.memory_space<vmem>>, vector<1x1xf32>
      tpu.vector_store %arg8[%swap3A_198, %swap3A_199], %select_n3A_197 {strides = array<i32>} : memref<1x1xf32, #tpu.memory_space<vmem>>, vector<1x1xf32>,
    } else {
    }
    %get3A_101 = arith.constant 0 : index
    %get3A_102 = arith.constant 0 : index
    %get3A_103 = vector.load %arg5[%get3A_101, %get3A_102] : memref<1x1xf32, #tpu.memory_space<vmem>>, vector<1x1xf32>
    %add3A_104 = vector.broadcast %reduce_sum3A_97 : f32 to vector<1x1xf32>
    %add3A_105 = arith.addf %get3A_103, %add3A_104 : vector<1x1xf32>
    %swap3A = arith.constant 0 : index
    %swap3A_106 = arith.constant 0 : index
    %swap3A_107 = vector.load %arg5[%swap3A, %swap3A_106] : memref<1x1xf32, #tpu.memory_space<vmem>>, vector<1x1xf32>
    tpu.vector_store %arg5[%swap3A, %swap3A_106], %add3A_105 {strides = array<i32>} : memref<1x1xf32, #tpu.memory_space<vmem>>, vector<1x1xf32>,
    %eq3A_108 = arith.constant 7 : i32
    %eq3A_109 = arith.cmpi eq, %arg0, %eq3A_108 : i32
    %convert_element_type3A_110 = arith.extui %eq3A_109 : i1 to i32
    %cond3A_111 = arith.constant 0 : i32
    %cond3A_112 = arith.cmpi ne, %convert_element_type3A_110, %cond3A_111 : i32
    scf.if %cond3A_112 {
      %get3A_113 = arith.constant 0 : index
      %get3A_114 = arith.constant 0 : index
      %get3A_115 = vector.load %arg5[%get3A_113, %get3A_114] : memref<1x1xf32, #tpu.memory_space<vmem>>, vector<1x1xf32>
      %mul3A_116 = arith.constant 7.62939453E-6 : f32
      %mul3A_117 = vector.broadcast %mul3A_116 : f32 to vector<1x1xf32>
      %mul3A_118 = arith.mulf %get3A_115, %mul3A_117 : vector<1x1xf32>
      %swap3A_119 = arith.constant 0 : index
      %swap3A_120 = arith.constant 0 : index
      %swap3A_121 = vector.load %arg5[%swap3A_119, %swap3A_120] : memref<1x1xf32, #tpu.memory_space<vmem>>, vector<1x1xf32>
      tpu.vector_store %arg5[%swap3A_119, %swap3A_120], %mul3A_118 {strides = array<i32>} : memref<1x1xf32, #tpu.memory_space<vmem>>, vector<1x1xf32>,
    } else {
    }
    return
  }
  func.func @transform_0(%arg0: i32) -> (i32, i32) {
    %c0_i32 = arith.constant 0 : i32
    %c0_i32_0 = arith.constant 0 : i32
    return %c0_i32, %arg0 : i32, i32
  }
  func.func @transform_1(%arg0: i32) -> (i32, i32) {
    %c0_i32 = arith.constant 0 : i32
    %c0_i32_0 = arith.constant 0 : i32
    return %c0_i32, %arg0 : i32, i32
  }
  func.func @transform_2(%arg0: i32) -> (i32, i32) {
    %c0_i32 = arith.constant 0 : i32
    %c0_i32_0 = arith.constant 0 : i32
    %c0_i32_1 = arith.constant 0 : i32
    return %c0_i32, %c0_i32_0 : i32, i32
  }
  func.func @transform_3(%arg0: i32) -> (i32, i32) {
    %c0_i32 = arith.constant 0 : i32
    %c0_i32_0 = arith.constant 0 : i32
    %c0_i32_1 = arith.constant 0 : i32
    return %c0_i32, %c0_i32_0 : i32, i32
  }
  func.func @transform_4(%arg0: i32) -> (i32, i32) {
    %c0_i32 = arith.constant 0 : i32
    %c0_i32_0 = arith.constant 0 : i32
    %c0_i32_1 = arith.constant 0 : i32
    return %c0_i32, %c0_i32_0 : i32, i32
  }
  func.func @transform_5(%arg0: i32) -> (i32, i32) {
    %c0_i32 = arith.constant 0 : i32
    %c0_i32_0 = arith.constant 0 : i32
    %c0_i32_1 = arith.constant 0 : i32
    return %c0_i32, %c0_i32_0 : i32, i32
  }
  func.func @transform_6(%arg0: i32) -> (i32, i32) {
    %c0_i32 = arith.constant 0 : i32
    %c0_i32_0 = arith.constant 0 : i32
    %c0_i32_1 = arith.constant 0 : i32
    return %c0_i32, %c0_i32_0 : i32, i32
  }
  func.func @transform_7(%arg0: i32) -> (i32, i32) {
    %c0_i32 = arith.constant 0 : i32
    %c0_i32_0 = arith.constant 0 : i32
    %c0_i32_1 = arith.constant 0 : i32
    return %c0_i32, %c0_i32_0 : i32, i32
  }
}

module attributes {stable_mosaic.version = 14 : i64} {
  func.func @_combine_body(%arg0: memref<512xf32, #tpu.memory_space<vmem>>, %arg1: memref<1x1xf32, #tpu.memory_space<vmem>>) attributes {dimension_semantics = [], scalar_prefetch = 0 : i64, scratch_operands = 0 : i64, tpu.core_type = #tpu.core_type<tc>} {
    %get3A = arith.constant 0 : index
    %get3A_0 = vector.load %arg0[%get3A] : memref<512xf32, #tpu.memory_space<vmem>>, vector<512xf32>
    %reduce_sum3A = vector.shape_cast %get3A_0 : vector<512xf32> to vector<1x512xf32>
    %reduce_sum3A_1 = arith.constant dense<0.000000e+00> : vector<1xf32>
    %reduce_sum3A_2 = vector.multi_reduction <add>, %reduce_sum3A, %reduce_sum3A_1 [1] : vector<1x512xf32> to vector<1xf32>
    %reduce_sum3A_3 = vector.shape_cast %reduce_sum3A_2 : vector<1xf32> to vector<1x1xf32>
    %reduce_sum3A_4 = vector.extract %reduce_sum3A_3[0, 0] : f32 from vector<1x1xf32>
    %mul3A = arith.constant 7.62939453E-6 : f32
    %mul3A_5 = arith.mulf %reduce_sum3A_4, %mul3A : f32
    %broadcast_in_dim3A = vector.broadcast %mul3A_5 : f32 to vector<1x1xf32>
    %swap3A = arith.constant 0 : index
    %swap3A_6 = arith.constant 0 : index
    %swap3A_7 = vector.load %arg1[%swap3A, %swap3A_6] : memref<1x1xf32, #tpu.memory_space<vmem>>, vector<1x1xf32>
    tpu.vector_store %arg1[%swap3A, %swap3A_6], %broadcast_in_dim3A {strides = array<i32>} : memref<1x1xf32, #tpu.memory_space<vmem>>, vector<1x1xf32>,
    return
  }
}

</mosaic_0001>

<sc_bundles>
// kernel: kernel.10.cloned.1.call-start
scs
__scs_entry_jumppad:
0x0: {  	(pc) =	sbr.rel $0x88, $3  }
0x1: {  	(tag) =	ssettag $0x0;
	lr =	simm.s32 $0x1  }
0x2: {  	[smem:$0x3F99] =	sst lr;
	_ =	strace $0xD0000000  }
0x3: {  	_ = 	snop  }
0x4: {  	_ = 	snop  }
0x5: {  	_ = 	snop  }
0x6: {  	_ = 	snop  }
0x7: {  	_ = 	snop  }
__scs_overlays_trampoline_lowered:
0x8: {  	[smem:$0x3FA8] =	sst s0  }
0x9: {  	[smem:$0x3FA9] =	sst s1  }
0xa: {  	[smem:$0x3FAA] =	sst s2  }
0xb: {  	[smem:$0x3FAB] =	sst s3  }
0xc: {  	[smem:$0x3FAC] =	sst s4  }
0xd: {  	[smem:$0x3FAD] =	sst s5  }
0xe: {  	[smem:$0x3FAE] =	sst s6  }
0xf: {  	[smem:$0x3FAF] =	sst s7  }
0x10: {  	[smem:$0x3FB0] =	sst s8  }
0x11: {  	[smem:$0x3FB1] =	sst s9;
	s0 =	simm.s32 @!p0 $0x0  }
0x12: {  	s1 =	sld [smem:$0x3F97];
	s0 =	simm.s32 @p0 $0x1  }
0x13: {  	[smem:$0x3FB2] =	sst s0;
	s0 =	simm.s32 @!p1 $0x0  }
0x14: {  	s2 =	sld [smem:$0x3F96];
	s0 =	simm.s32 @p1 $0x1  }
0x15: {  	[smem:$0x3FB3] =	sst s0;
	s0 =	simm.s32 @!p2 $0x0  }
0x16: {  	s3 =	sld [smem:$0x3FDB];
	s0 =	simm.s32 @p2 $0x1  }
0x17: {  	s4 =	simm.s32 $0x1BF5;
	[smem:$0x3FB5] =	sst s0  }
0x18: {  	s0 =	sld [smem:$0x3F98];
	_ =	swait.ge [sflag:s4], $0x0  }
0x19: {  	s7 =	sld [smem:$0x3F99]  }
0x1a: {  	s8 =	sadd.s32 $0xFFFFE003, lr  }
0x1b: {  	s9 =	sadd.s32 $0xFFFFFEF7, lr;
	s5 =	simm.s32 $0xFFFFFFFF;
	p2 =	slt.u32 s8, $0xFFFFF086  }
0x1c: {  	p1 =	slt.u32 s9, $0xF7A;
	s5 =	simm.s32 @!p2 $0x0  }
0x1d: {  	s5 =	simm.s32 @p1 $0x1;
	p0 =	seq.s32 s7, s2  }
0x1e: {  	s7 =	smul.u32 @!p0 $0xF7A, s2;
	p2 =	seq.s32 @!p0 s5, $0x0  }
0x1f: {  	s9 =	smul.u32 $0xF7A, s1;
	s8 =	simm.s32 @!p0 $0x1BF5;
	p2 =	por !p2, p0  }
0x20: {  	[sflag:s8] =	ssyncset.s32 @!p0 $0xFFFFF086;
	s6 =	sadd.s32 @!p0 s3, s7;
	s7 =	simm.s32 @!p0 $0x108  }
0x21: {  	s3 =	sadd.s32 s3, s9;
	s6 =	sadd.s32 @!p0 $0x88, s6;
	s7 =	simm.s32 @p2 $0x1082  }
0x22: {  	[simem:s7], [sflag:s8] =	dma.local @!p0 [hbm:s6], $0xF7A  }
0x23: {  	s9 =	sor.u32 $0xD0000000, s2;
	s6 =	simm.s32 $0x108;
	_ =	swait.ge @!p0 [sflag:s8], $0x0  }
0x24: {  	s3 =	sadd.s32 $0x88, s3;
	s6 =	simm.s32 @!p1 $0x1082;
	[sflag:s4] =	ssyncset.s32 $0xFFFFF086  }
0x25: {  	[simem:s6], [sflag:s4] =	dma.local [hbm:s3], $0xF7A  }
0x26: {  	[smem:$0x3F99] =	sst s1;
	(tag) =	ssettag s2;
	_ =	strace s9  }
0x27: {  	s1 =	sld [smem:$0x3FA9]  }
0x28: {  	s2 =	sld [smem:$0x3FAA]  }
0x29: {  	s4 =	sld [smem:$0x3FAC]  }
0x2a: {  	p0 =	seq.s32 s5, $0x0;
	s5 =	sld [smem:$0x3FAD]  }
0x2b: {  	s6 =	sld [smem:$0x3FAE]  }
0x2c: {  	s7 =	sld [smem:$0x3FAF]  }
0x2d: {  	s3 =	simm.s32 $0x108;
	s8 =	sld [smem:$0x3FB0]  }
0x2e: {  	s3 =	simm.s32 @!p0 $0x1082;
	s9 =	sld [smem:$0x3FB1]  }
0x2f: {  	lr =	sadd.s32 s0, s3;
	s0 =	sld [smem:$0x3FA8]  }
0x30: {  	s3 =	sld [smem:$0x3FAB]  }
0x31: {  	[smem:$0x3FB4] =	sst s10  }
0x32: {  	s10 =	sld [smem:$0x3FB2];
	_ =	sdelay $0x3  }
0x33: {  	p0 =	seq.s32 s10, $0x1;
	s10 =	sld [smem:$0x3FB4];
	_ =	sdelay $0x3  }
0x34: {  	[smem:$0x3FB4] =	sst s10  }
0x35: {  	s10 =	sld [smem:$0x3FB3];
	_ =	sdelay $0x3  }
0x36: {  	p1 =	seq.s32 s10, $0x1;
	s10 =	sld [smem:$0x3FB4];
	_ =	sdelay $0x3  }
0x37: {  	[smem:$0x3FB4] =	sst s10  }
0x38: {  	s10 =	sld [smem:$0x3FB5]  }
0x39: {  	_ = 	snop;
	(pc) =	sbr.ind lr, $3  }
0x3a: {  	_ = 	snop  }
0x3b: {  	_ = 	snop  }
0x3c: {  	p2 =	seq.s32 s10, $0x1;
	s10 =	sld [smem:$0x3FB4]  }
0x3d: {  	_ =	shalt  }
0x3e: {  	_ =	shalt  }
0x3f: {  	_ =	shalt  }
0x40: {  	_ =	shalt  }
0x41: {  	_ =	shalt  }
0x42: {  	_ =	shalt  }
0x43: {  	_ =	shalt  }
0x44: {  	_ =	shalt  }
0x45: {  	_ =	shalt  }
0x46: {  	_ =	shalt  }
0x47: {  	_ =	shalt  }
0x48: {  	_ =	shalt  }
0x49: {  	_ =	shalt  }
0x4a: {  	_ =	shalt  }
0x4b: {  	_ =	shalt  }
0x4c: {  	_ =	shalt  }
0x4d: {  	_ =	shalt  }
0x4e: {  	_ =	shalt  }
0x4f: {  	_ =	shalt  }
0x50: {  	_ =	shalt  }
0x51: {  	_ =	shalt  }
0x52: {  	_ =	shalt  }
0x53: {  	_ =	shalt  }
0x54: {  	_ =	shalt  }
0x55: {  	_ =	shalt  }
0x56: {  	_ =	shalt  }
0x57: {  	_ =	shalt  }
0x58: {  	_ =	shalt  }
0x59: {  	_ =	shalt  }
0x5a: {  	_ =	shalt  }
0x5b: {  	_ =	shalt  }
0x5c: {  	_ =	shalt  }
0x5d: {  	_ =	shalt  }
0x5e: {  	_ =	shalt  }
0x5f: {  	_ =	shalt  }
0x60: {  	_ =	shalt  }
0x61: {  	_ =	shalt  }
0x62: {  	_ =	shalt  }
0x63: {  	_ =	shalt  }
0x64: {  	_ =	shalt  }
0x65: {  	_ =	shalt  }
0x66: {  	_ =	shalt  }
0x67: {  	_ =	shalt  }
0x68: {  	_ =	shalt  }
0x69: {  	_ =	shalt  }
0x6a: {  	_ =	shalt  }
0x6b: {  	_ =	shalt  }
0x6c: {  	_ =	shalt  }
0x6d: {  	_ =	shalt  }
0x6e: {  	_ =	shalt  }
0x6f: {  	_ =	shalt  }
0x70: {  	_ =	shalt  }
0x71: {  	_ =	shalt  }
0x72: {  	_ =	shalt  }
0x73: {  	_ =	shalt  }
0x74: {  	_ =	shalt  }
0x75: {  	_ =	shalt  }
0x76: {  	_ =	shalt  }
0x77: {  	_ =	shalt  }
0x78: {  	_ =	shalt  }
0x79: {  	_ =	shalt  }
0x7a: {  	_ =	shalt  }
0x7b: {  	_ =	shalt  }
0x7c: {  	_ =	shalt  }
0x7d: {  	_ =	shalt  }
0x7e: {  	_ =	shalt  }
0x7f: {  	_ =	shalt  }
0x80: {  	_ =	shalt  }
0x81: {  	_ =	shalt  }
0x82: {  	_ =	shalt  }
0x83: {  	_ =	shalt  }
0x84: {  	_ =	shalt  }
0x85: {  	_ =	shalt  }
0x86: {  	_ =	shalt  }
0x87: {  	_ =	shalt  }
.Lfunc_end0:
.L_simem_size_0:
called_computation.1_lowered:
.L_overlay_start_0:
0x88: {  	s2 =	sld [smem:$0x3FD9]  }
0x89: {  	s3 =	sld [smem:$0x3FFE];
	_ =	sdelay $0x1  }
0x8a: {  	s1 =	srdreg.scid  }
0x8b: {  	s0 =	sand.u32 $0x1, s1  }
0x8c: {  	s17 =	sshll.u32 s0, $0xA;
	s2 =	sadd.s32 s3, s2  }
0x8d: {  	s2 =	sadd.s32 s2, s17  }
0x8e: {  	[smem:$0x3FC0] =	sst s2  }
0x8f: {  	_ = 	snop  }
0x90: {  	s2 =	sld [smem:$0x3FC7]  }
0x91: {  	s18 =	sld [smem:$0x3FC6];
	(tm) =	ssettm $0x1  }
0x92: {  	s4 =	sld [smem:$0x3FFB];
	_ =	sdelay $0x3  }
0x93: {  	_ =	strace s4  }
0x94: {  	s4 =	sld [smem:$0x3FFC];
	_ =	sdelay $0x3  }
0x95: {  	_ =	strace s4  }
0x96: {  	s4 =	sld [smem:$0x3FFD];
	_ =	sdelay $0x3  }
0x97: {  	_ =	strace s4  }
0x98: {  	_ =	strace $0x8FFFFFFF  }
0x99: {  	s19 =	sld [smem:$0x3FDB];
	_ =	sdelay $0x1  }
0x9a: {  	s5 =	simm.s32 $_scs_section_size  }
0x9b: {  	s6 =	simm.s32 $_size__tile_overlayer_lowered;
	s7 =	simm.s32 $_tile_overlayer_lowered  }
0x9c: {  	s22 =	simm.s32 $0x1BFF;
	s21 =	sshll.u32 s7, $0x1;
	s4 =	sadd.s32 s5, s19  }
0x9d: {  	s8 =	simm.s32 $0x0;
	s20 =	sshll.u32 s6, $0x1;
	s6 =	sadd.s32 s21, s4  }
0x9e: {  	[timem:s8], [sflag:s22] =	dma.local [hbm:s6], s20  }
0x9f: {  	_ =	swait.ge [sflag:s22], s20  }
0xa0: {  	s5 =	ssub.s32 $0x0, s20;
	[sflag:s22] =	ssyncset.done $0x0  }
0xa1: {  	[sflag:s22] =	ssyncadd.s32 s5;
	_ =	sdelay $0x1  }
0xa2: {  	s23 =	simm.s32 $0x1B8B  }
0xa3: {  	_ =	swait.ge [sflag:s23], $0x1  }
0xa4: {  	[sflag:s23] =	ssyncset.done $0x0  }
0xa5: {  	s25 =	simm.s32 $0x1B8E;
	s24 =	sld [smem:$0x3FFE];
	[sflag:s23] =	ssyncadd.s32 $0xFFFFFFFF  }
0xa6: {  	s26 =	simm.s32 $execute0_lowered;
	[smem:$0x3FD2] =	sst s25  }
0xa7: {  	s6 =	sshll.u32 s26, $0x1;
	_ =	strace $0x80000049;
	[dreg:$0x1] =	wrdreg $0xFFFFFFFF  }
0xa8: {  	s28 =	simm.s32 $_size_execute0_lowered;
	s4 =	sadd.s32 s4, s6;
	[dreg:$0x0] =	wrdreg $0x0  }
0xa9: {  	s6 =	sshll.u32 s28, $0x1;
	[dreg:$0x2] =	wrdreg s4  }
0xaa: {  	[dreg:$0x3] =	wrdreg s6  }
0xab: {  	[dreg:$0x4] =	wrdreg $0xC0  }
0xac: {  	_ =	task [dreg:s8], $0x5FFFF  }
0xad: {  	[dreg:$0x1] =	wrdreg $0xFFFFFFFF  }
0xae: {  	[dreg:$0x0] =	wrdreg $0x60  }
0xaf: {  	[dreg:$0x2] =	wrdreg s24  }
0xb0: {  	[dreg:$0x3] =	wrdreg s2  }
0xb1: {  	[dreg:$0x4] =	wrdreg s18  }
0xb2: {  	[dreg:$0x5] =	wrdreg $0x9  }
0xb3: {  	_ =	task.clear_ibuf [dreg:s8], $0x6FFFF;
	_ =	strace $0x90000049  }
0xb4: {  	s29 =	simm.s32 $0x9;
	_ =	strace $0x8000004B  }
0xb5: {  	_ =	swait.ge [sflag:s29], $0x1  }
0xb6: {  	[sflag:s29] =	ssyncadd.s32 $0xFFFFFFFF  }
0xb7: {  	_ =	strace $0x9000004B  }
0xb8: {  	_ =	sfence  }
0xb9: {  	s30 =	sld [smem:$0x0];
	_ =	sdelay $0x2  }
0xba: {  	s31 =	sshll.u32 s1, $0xD;
	s1 =	sshrl.u32 s1, $0x2  }
0xbb: {  	s3 =	sand.u32 $0x4000, s31;
	s1 =	sadd.s32 s1, s30  }
0xbc: {  	s0 =	sor.u32 s3, s0;
	s1 =	sshll.u32 s1, $0x11  }
0xbd: {  	s0 =	sor.u32 s1, s0  }
0xbe: {  	s0 =	sadd.s32 $0x8F2B, s0  }
0xbf: {  	[sflag:s0] =	ssyncadd.remote.s32 $0x1  }
0xc0: {  	_ =	sfence.sel $0xFFFF  }
0xc1: {  	[dreg:$0x0] =	wrdreg $0xFFFFFFFF;
	(pc) =	sbr.abs _section_cstart, $3  }
0xc2: {  	[dreg:$0x1] =	wrdreg $0xFFFFFFFF  }
0xc3: {  	_ =	task.clear_ibuf [dreg:s8], $0x2FFFF;
	_ =	strace $0x9FFFFFFF  }
0xc4: {  	(tm) =	ssettm $0x7FFFFFFF  }
0xc5: {  	_ =	shalt  }
tec
execute0_lowered:
.L_overlay_start_1:
0x0: {  	(tag) =	ssettag $0x1  }
0x1: {  	s4 =	rddreg [dreg:$0x0]  }
0x2: {  	s5 =	rddreg [dreg:$0x1]  }
0x3: {  	s6 =	rddreg [dreg:$0x2]  }
0x4: {  	s0 =	rddreg [dreg:$0x3];
	s2 =	simm.s32 $0x0  }
0x5: {  	s3 =	srdreg.scid;
	s1 =	stileid.u32;
	s11 =	simm.s32 $0x1  }
0x6: {  	s12 =	simm.s32 $0x4000;
	s13 =	simm.s32 $0x0;
	[smem:$0x7FF] =	sst s2  }
0x7: {  	s7 =	sand.u32 $0x1, s3;
	s8 =	sshll.u32 s1, $0x1;
	s3 =	sadd.s32 $0x1800, s4  }
0x8: {  	_ =	strace $0x8000004A;
	s8 =	sor.u32 s7, s8;
	s7 =	ssub.s32 $0x2, s7  }
0x9: {  	s9 =	sshll.u32 s8, $0x1;
	s10 =	sshrl.u32 s7, $0x1;
	s8 =	sshll.u32 s8, $0x9  }
0xa: {  	s9 =	sadd.s32 s9, s4;
	s7 =	ssub.s32 s7, s10;
	s4 =	sadd.s32 s5, s8  }
0xb: {  	s5 =	sadd.s32 s6, s8;
	s8 =	simm.s32 $0x2;
	s10 =	simm.s32 $0x80  }
0xc: {  	s6 =	sadd.s32 $0x881800, s9;
	s7 =	smax.u32 s7, $0x1;
	s9 =	simm.s32 $0x1000  }
.LBB2_1:
0xd: {  	[tilespmem:s2], [sflag:$0x2] =	stream.linear.gather [hbm4b:s4+s2], $0x1000, $0x38;
	[tilespmem:$0x4080] =	vst v63  }
0xe: {  	_ =	swait.ge [sflag:s8], $0x1000  }
0xf: {  	[sflag:s8] =	ssyncset.done $0x0  }
0x10: {  	[sflag:s8] =	ssyncadd.s32 $0xFFFFF000  }
0x11: {  	[tilespmem:s9], [sflag:$0x2] =	stream.linear.gather [hbm4b:s5+s2], $0x1000, $0x38;
	[tilespmem:$0x4080] =	vst v63  }
0x12: {  	_ =	swait.ge [sflag:s8], $0x1000  }
0x13: {  	[sflag:s8] =	ssyncset.done $0x0  }
0x14: {  	s14 =	simm.s32 $0x0;
	[sflag:s8] =	ssyncadd.s32 $0xFFFFF000  }
0x15: {  	v0 =	vld [tilespmem:s14+$0x0]  }
0x16: {  	s15 =	simm.s32 $0x40;
	v1 =	vld [tilespmem:s14+$0x1000]  }
.LBB2_2:
0x17: {  	p0 =	sne.s32 s15, $0x3FC0  }
.Ltmp0:
0x18: {  	_ = 	snop;
	(pc) =	sbr.rel @p0 .LBB2_2-.Ltmp0, $4  }
0x19: {  	_ = 	snop  }
0x1a: {  	s16 =	sshra.s32 s15, $0x2;
	s15 =	sadd.s32 $0x40, s15;
	v2 =	vshll.u32 v0, $0xD  }
0x1b: {  	v0 =	vld [tilespmem:s16+$0x0];
	v2 =	vadd.s32 v1, v2  }
0x1c: {  	v1 =	vld [tilespmem:s16+$0x1000];
	[tilespmem:s14+$0x2000] =	vst v2;
	s14 =	smov.u32 s16  }
0x1d: {  	_ =	sdelay $0x2  }
0x1e: {  	v0 =	vshll.u32 v0, $0xD  }
0x1f: {  	v0 =	vadd.s32 v1, v0  }
0x20: {  	s15 =	simm.s32 $0x3000;
	s16 =	simm.s32 $0x2000;
	[tilespmem:s14+$0x2000] =	vst v0;
	s14 =	simm.s32 $0x200  }
.LBB2_4:
0x21: {  	[tilespmem:s15], [sflag:$0x1] =	stream.indirect.gather [hbm4b:s3+s10], $0x1, s16, s10, $0xb8;
	[tilespmem:$0x4080] =	vst v63  }
0x22: {  	s15 =	smov.u32 s14;
	p0 =	sne.s32 s14, $0x3E00  }
.Ltmp1:
0x23: {  	s14 =	sadd.s32 $0x200, s14;
	(pc) =	sbr.rel @p0 .LBB2_4-.Ltmp1, $3  }
0x24: {  	_ =	sdelay $0x1  }
0x25: {  	s16 =	sshra.s32 s15, $0x2  }
0x26: {  	s15 =	sadd.s32 $0x3000, s16;
	s16 =	sadd.s32 $0x2000, s16  }
0x27: {  	[tilespmem:s15], [sflag:$0x1] =	stream.indirect.gather [hbm4b:s3+s10], $0x1, s16, s10, $0xb8;
	[tilespmem:$0x4080] =	vst v63  }
0x28: {  	_ =	swait.ge [sflag:s11], $0x80  }
0x29: {  	[sflag:s11] =	ssyncset.done $0x0  }
0x2a: {  	[sflag:s11] =	ssyncadd.s32 $0xFFFFFF80  }
0x2b: {  	_ =	swait.ge [sflag:s11], $0x80  }
0x2c: {  	[sflag:s11] =	ssyncset.done $0x0  }
0x2d: {  	[sflag:s11] =	ssyncadd.s32 $0xFFFFFF80  }
0x2e: {  	_ =	swait.ge [sflag:s11], $0x80  }
0x2f: {  	[sflag:s11] =	ssyncset.done $0x0  }
0x30: {  	[sflag:s11] =	ssyncadd.s32 $0xFFFFFF80  }
0x31: {  	_ =	swait.ge [sflag:s11], $0x80  }
0x32: {  	[sflag:s11] =	ssyncset.done $0x0  }
0x33: {  	[sflag:s11] =	ssyncadd.s32 $0xFFFFFF80  }
0x34: {  	_ =	swait.ge [sflag:s11], $0x80  }
0x35: {  	[sflag:s11] =	ssyncset.done $0x0  }
0x36: {  	[sflag:s11] =	ssyncadd.s32 $0xFFFFFF80  }
0x37: {  	_ =	swait.ge [sflag:s11], $0x80  }
0x38: {  	[sflag:s11] =	ssyncset.done $0x0  }
0x39: {  	[sflag:s11] =	ssyncadd.s32 $0xFFFFFF80  }
0x3a: {  	_ =	swait.ge [sflag:s11], $0x80  }
0x3b: {  	[sflag:s11] =	ssyncset.done $0x0  }
0x3c: {  	[sflag:s11] =	ssyncadd.s32 $0xFFFFFF80  }
0x3d: {  	_ =	swait.ge [sflag:s11], $0x80  }
0x3e: {  	[sflag:s11] =	ssyncset.done $0x0  }
0x3f: {  	[sflag:s11] =	ssyncadd.s32 $0xFFFFFF80  }
0x40: {  	_ =	swait.ge [sflag:s11], $0x80  }
0x41: {  	[sflag:s11] =	ssyncset.done $0x0  }
0x42: {  	[sflag:s11] =	ssyncadd.s32 $0xFFFFFF80  }
0x43: {  	_ =	swait.ge [sflag:s11], $0x80  }
0x44: {  	[sflag:s11] =	ssyncset.done $0x0  }
0x45: {  	[sflag:s11] =	ssyncadd.s32 $0xFFFFFF80  }
0x46: {  	_ =	swait.ge [sflag:s11], $0x80  }
0x47: {  	[sflag:s11] =	ssyncset.done $0x0  }
0x48: {  	[sflag:s11] =	ssyncadd.s32 $0xFFFFFF80  }
0x49: {  	_ =	swait.ge [sflag:s11], $0x80  }
0x4a: {  	[sflag:s11] =	ssyncset.done $0x0  }
0x4b: {  	[sflag:s11] =	ssyncadd.s32 $0xFFFFFF80  }
0x4c: {  	_ =	swait.ge [sflag:s11], $0x80  }
0x4d: {  	[sflag:s11] =	ssyncset.done $0x0  }
0x4e: {  	[sflag:s11] =	ssyncadd.s32 $0xFFFFFF80  }
0x4f: {  	_ =	swait.ge [sflag:s11], $0x80  }
0x50: {  	[sflag:s11] =	ssyncset.done $0x0  }
0x51: {  	[sflag:s11] =	ssyncadd.s32 $0xFFFFFF80  }
0x52: {  	_ =	swait.ge [sflag:s11], $0x80  }
0x53: {  	[sflag:s11] =	ssyncset.done $0x0  }
0x54: {  	[sflag:s11] =	ssyncadd.s32 $0xFFFFFF80  }
0x55: {  	_ =	swait.ge [sflag:s11], $0x80  }
0x56: {  	[sflag:s11] =	ssyncset.done $0x0  }
0x57: {  	[sflag:s11] =	ssyncadd.s32 $0xFFFFFF80  }
0x58: {  	_ =	swait.ge [sflag:s11], $0x80  }
0x59: {  	[sflag:s11] =	ssyncset.done $0x0  }
0x5a: {  	[sflag:s11] =	ssyncadd.s32 $0xFFFFFF80  }
0x5b: {  	_ =	swait.ge [sflag:s11], $0x80  }
0x5c: {  	[sflag:s11] =	ssyncset.done $0x0  }
0x5d: {  	[sflag:s11] =	ssyncadd.s32 $0xFFFFFF80  }
0x5e: {  	_ =	swait.ge [sflag:s11], $0x80  }
0x5f: {  	[sflag:s11] =	ssyncset.done $0x0  }
0x60: {  	[sflag:s11] =	ssyncadd.s32 $0xFFFFFF80  }
0x61: {  	_ =	swait.ge [sflag:s11], $0x80  }
0x62: {  	[sflag:s11] =	ssyncset.done $0x0  }
0x63: {  	[sflag:s11] =	ssyncadd.s32 $0xFFFFFF80  }
0x64: {  	_ =	swait.ge [sflag:s11], $0x80  }
0x65: {  	[sflag:s11] =	ssyncset.done $0x0  }
0x66: {  	[sflag:s11] =	ssyncadd.s32 $0xFFFFFF80  }
0x67: {  	_ =	swait.ge [sflag:s11], $0x80  }
0x68: {  	[sflag:s11] =	ssyncset.done $0x0  }
0x69: {  	[sflag:s11] =	ssyncadd.s32 $0xFFFFFF80  }
0x6a: {  	_ =	swait.ge [sflag:s11], $0x80  }
0x6b: {  	[sflag:s11] =	ssyncset.done $0x0  }
0x6c: {  	[sflag:s11] =	ssyncadd.s32 $0xFFFFFF80  }
0x6d: {  	_ =	swait.ge [sflag:s11], $0x80  }
0x6e: {  	[sflag:s11] =	ssyncset.done $0x0  }
0x6f: {  	[sflag:s11] =	ssyncadd.s32 $0xFFFFFF80  }
0x70: {  	_ =	swait.ge [sflag:s11], $0x80  }
0x71: {  	[sflag:s11] =	ssyncset.done $0x0  }
0x72: {  	[sflag:s11] =	ssyncadd.s32 $0xFFFFFF80  }
0x73: {  	_ =	swait.ge [sflag:s11], $0x80  }
0x74: {  	[sflag:s11] =	ssyncset.done $0x0  }
0x75: {  	[sflag:s11] =	ssyncadd.s32 $0xFFFFFF80  }
0x76: {  	_ =	swait.ge [sflag:s11], $0x80  }
0x77: {  	[sflag:s11] =	ssyncset.done $0x0  }
0x78: {  	[sflag:s11] =	ssyncadd.s32 $0xFFFFFF80  }
0x79: {  	_ =	swait.ge [sflag:s11], $0x80  }
0x7a: {  	[sflag:s11] =	ssyncset.done $0x0  }
0x7b: {  	[sflag:s11] =	ssyncadd.s32 $0xFFFFFF80  }
0x7c: {  	_ =	swait.ge [sflag:s11], $0x80  }
0x7d: {  	[sflag:s11] =	ssyncset.done $0x0  }
0x7e: {  	[sflag:s11] =	ssyncadd.s32 $0xFFFFFF80  }
0x7f: {  	_ =	swait.ge [sflag:s11], $0x80  }
0x80: {  	[sflag:s11] =	ssyncset.done $0x0  }
0x81: {  	[sflag:s11] =	ssyncadd.s32 $0xFFFFFF80  }
0x82: {  	_ =	swait.ge [sflag:s11], $0x80  }
0x83: {  	[sflag:s11] =	ssyncset.done $0x0  }
0x84: {  	[sflag:s11] =	ssyncadd.s32 $0xFFFFFF80  }
0x85: {  	_ =	swait.ge [sflag:s11], $0x80  }
0x86: {  	[sflag:s11] =	ssyncset.done $0x0  }
0x87: {  	s31 =	simm.s32 $0x0;
	[sflag:s11] =	ssyncadd.s32 $0xFFFFFF80  }
0x88: {  	v0 =	vimm.f32 $0.0e+00;
	s14 =	simm.s32 $0x40;
	v1 =	vld [tilespmem:s31+$0x3000]  }
.LBB2_6:
0x89: {  	p0 =	sne.s32 s14, $0x3FC0  }
.Ltmp2:
0x8a: {  	_ = 	snop;
	(pc) =	sbr.rel @p0 .LBB2_6-.Ltmp2, $3  }
0x8b: {  	_ =	sdelay $0x1  }
0x8c: {  	s15 =	sshra.s32 s14, $0x2;
	s14 =	sadd.s32 $0x40, s14;
	v0 =	vadd.f32 v1, v0  }
0x8d: {  	v1 =	vld [tilespmem:s15+$0x3000]  }
0x8e: {  	_ =	sdelay $0x3  }
0x8f: {  	s13 =	sadd.s32 $0x1, s13;
	v0 =	vadd.f32 v1, v0  }
0x90: {  	p0 =	sne.s32 s13, s7  }
.Ltmp3:
0x91: {  	[tilespmem:$0x4000] =	vst v0;
	(pc) =	sbr.rel @p0 .LBB2_1-.Ltmp3, $4  }
0x92: {  	[hbm4b:s6+s2] =	stream.linear.scatter [tilespmem:s12], [sflag:$0x2], $0x10, $0x38;
	[tilespmem:$0x4080] =	vst v63  }
0x93: {  	_ =	swait.ge [sflag:s8], $0x10  }
0x94: {  	[sflag:s8] =	ssyncset.done $0x0  }
0x95: {  	[sflag:s8] =	ssyncadd.s32 $0xFFFFFFF0  }
0x96: {  	_ =	sfence.sel $0x180000  }
0x97: {  	[bflag:$0x0] =	sbarrier.arrive $0xFFFF  }
0x98: {  	p0 =	sne.s32 s1, $0x0;
	_ =	strace $0x9000004A  }
0x99: {  	s0 =	sadd.s32 @!p0 $0x100000, s0;
	[bflag:$0x2] =	sbarrier.arrive $0xFFFF  }
0x9a: {  	[sflag:s0] =	ssyncadd.tile.s32 @!p0 $0x1;
	_ =	shalt  }
.Lfunc_end2:
_tile_overlayer_lowered:
.L_overlay_start_2:
0x9b: {  	(tag) =	ssettag $0x2  }
0x9c: {  	s0 =	rddreg [dreg:$0x0];
	s2 =	stileid.u32  }
0x9d: {  	s1 =	rddreg [dreg:$0x1];
	p0 =	sne.s32 s2, $0x0  }
0x9e: {  	s3 =	rddreg [dreg:$0x2];
	[bflag:$0x3] =	sbarrier.arrive $0xFFFF;
	s2 =	simm.s32 @!p0 $0x1C02  }
0x9f: {  	[timem:s3], [sflag:s2] =	dma.local @!p0 [hbm:s0], s1  }
0xa0: {  	s0 =	simm.s32 @!p0 $0x2  }
0xa1: {  	_ =	swait.ge @!p0 [sflag:s0], s1  }
0xa2: {  	s1 =	ssub.s32 @!p0 $0x0, s1;
	[sflag:s0] =	ssyncset.done @!p0 $0x0  }
0xa3: {  	[sflag:s0] =	ssyncadd.s32 @!p0 s1  }
0xa4: {  	[bflag:$0x3] =	sbarrier.arrive $0xFFFF  }
0xa5: {  	_ =	shalt  }

// kernel: kernel.7.cloned.1.call-start
scs
__scs_entry_jumppad:
0x0: {  	(pc) =	sbr.rel $0x88, $3  }
0x1: {  	(tag) =	ssettag $0x0;
	lr =	simm.s32 $0x1  }
0x2: {  	[smem:$0x3F99] =	sst lr;
	_ =	strace $0xD0000000  }
0x3: {  	_ = 	snop  }
0x4: {  	_ = 	snop  }
0x5: {  	_ = 	snop  }
0x6: {  	_ = 	snop  }
0x7: {  	_ = 	snop  }
__scs_overlays_trampoline_lowered:
0x8: {  	[smem:$0x3FA8] =	sst s0  }
0x9: {  	[smem:$0x3FA9] =	sst s1  }
0xa: {  	[smem:$0x3FAA] =	sst s2  }
0xb: {  	[smem:$0x3FAB] =	sst s3  }
0xc: {  	[smem:$0x3FAC] =	sst s4  }
0xd: {  	[smem:$0x3FAD] =	sst s5  }
0xe: {  	[smem:$0x3FAE] =	sst s6  }
0xf: {  	[smem:$0x3FAF] =	sst s7  }
0x10: {  	[smem:$0x3FB0] =	sst s8  }
0x11: {  	[smem:$0x3FB1] =	sst s9;
	s0 =	simm.s32 @!p0 $0x0  }
0x12: {  	s1 =	sld [smem:$0x3F97];
	s0 =	simm.s32 @p0 $0x1  }
0x13: {  	[smem:$0x3FB2] =	sst s0;
	s0 =	simm.s32 @!p1 $0x0  }
0x14: {  	s2 =	sld [smem:$0x3F96];
	s0 =	simm.s32 @p1 $0x1  }
0x15: {  	[smem:$0x3FB3] =	sst s0;
	s0 =	simm.s32 @!p2 $0x0  }
0x16: {  	s3 =	sld [smem:$0x3FDB];
	s0 =	simm.s32 @p2 $0x1  }
0x17: {  	s4 =	simm.s32 $0x1BF5;
	[smem:$0x3FB5] =	sst s0  }
0x18: {  	s0 =	sld [smem:$0x3F98];
	_ =	swait.ge [sflag:s4], $0x0  }
0x19: {  	s7 =	sld [smem:$0x3F99]  }
0x1a: {  	s8 =	sadd.s32 $0xFFFFE003, lr  }
0x1b: {  	s9 =	sadd.s32 $0xFFFFFEF7, lr;
	s5 =	simm.s32 $0xFFFFFFFF;
	p2 =	slt.u32 s8, $0xFFFFF086  }
0x1c: {  	p1 =	slt.u32 s9, $0xF7A;
	s5 =	simm.s32 @!p2 $0x0  }
0x1d: {  	s5 =	simm.s32 @p1 $0x1;
	p0 =	seq.s32 s7, s2  }
0x1e: {  	s7 =	smul.u32 @!p0 $0xF7A, s2;
	p2 =	seq.s32 @!p0 s5, $0x0  }
0x1f: {  	s9 =	smul.u32 $0xF7A, s1;
	s8 =	simm.s32 @!p0 $0x1BF5;
	p2 =	por !p2, p0  }
0x20: {  	[sflag:s8] =	ssyncset.s32 @!p0 $0xFFFFF086;
	s6 =	sadd.s32 @!p0 s3, s7;
	s7 =	simm.s32 @!p0 $0x108  }
0x21: {  	s3 =	sadd.s32 s3, s9;
	s6 =	sadd.s32 @!p0 $0x88, s6;
	s7 =	simm.s32 @p2 $0x1082  }
0x22: {  	[simem:s7], [sflag:s8] =	dma.local @!p0 [hbm:s6], $0xF7A  }
0x23: {  	s9 =	sor.u32 $0xD0000000, s2;
	s6 =	simm.s32 $0x108;
	_ =	swait.ge @!p0 [sflag:s8], $0x0  }
0x24: {  	s3 =	sadd.s32 $0x88, s3;
	s6 =	simm.s32 @!p1 $0x1082;
	[sflag:s4] =	ssyncset.s32 $0xFFFFF086  }
0x25: {  	[simem:s6], [sflag:s4] =	dma.local [hbm:s3], $0xF7A  }
0x26: {  	[smem:$0x3F99] =	sst s1;
	(tag) =	ssettag s2;
	_ =	strace s9  }
0x27: {  	s1 =	sld [smem:$0x3FA9]  }
0x28: {  	s2 =	sld [smem:$0x3FAA]  }
0x29: {  	s4 =	sld [smem:$0x3FAC]  }
0x2a: {  	p0 =	seq.s32 s5, $0x0;
	s5 =	sld [smem:$0x3FAD]  }
0x2b: {  	s6 =	sld [smem:$0x3FAE]  }
0x2c: {  	s7 =	sld [smem:$0x3FAF]  }
0x2d: {  	s3 =	simm.s32 $0x108;
	s8 =	sld [smem:$0x3FB0]  }
0x2e: {  	s3 =	simm.s32 @!p0 $0x1082;
	s9 =	sld [smem:$0x3FB1]  }
0x2f: {  	lr =	sadd.s32 s0, s3;
	s0 =	sld [smem:$0x3FA8]  }
0x30: {  	s3 =	sld [smem:$0x3FAB]  }
0x31: {  	[smem:$0x3FB4] =	sst s10  }
0x32: {  	s10 =	sld [smem:$0x3FB2];
	_ =	sdelay $0x3  }
0x33: {  	p0 =	seq.s32 s10, $0x1;
	s10 =	sld [smem:$0x3FB4];
	_ =	sdelay $0x3  }
0x34: {  	[smem:$0x3FB4] =	sst s10  }
0x35: {  	s10 =	sld [smem:$0x3FB3];
	_ =	sdelay $0x3  }
0x36: {  	p1 =	seq.s32 s10, $0x1;
	s10 =	sld [smem:$0x3FB4];
	_ =	sdelay $0x3  }
0x37: {  	[smem:$0x3FB4] =	sst s10  }
0x38: {  	s10 =	sld [smem:$0x3FB5]  }
0x39: {  	_ = 	snop;
	(pc) =	sbr.ind lr, $3  }
0x3a: {  	_ = 	snop  }
0x3b: {  	_ = 	snop  }
0x3c: {  	p2 =	seq.s32 s10, $0x1;
	s10 =	sld [smem:$0x3FB4]  }
0x3d: {  	_ =	shalt  }
0x3e: {  	_ =	shalt  }
0x3f: {  	_ =	shalt  }
0x40: {  	_ =	shalt  }
0x41: {  	_ =	shalt  }
0x42: {  	_ =	shalt  }
0x43: {  	_ =	shalt  }
0x44: {  	_ =	shalt  }
0x45: {  	_ =	shalt  }
0x46: {  	_ =	shalt  }
0x47: {  	_ =	shalt  }
0x48: {  	_ =	shalt  }
0x49: {  	_ =	shalt  }
0x4a: {  	_ =	shalt  }
0x4b: {  	_ =	shalt  }
0x4c: {  	_ =	shalt  }
0x4d: {  	_ =	shalt  }
0x4e: {  	_ =	shalt  }
0x4f: {  	_ =	shalt  }
0x50: {  	_ =	shalt  }
0x51: {  	_ =	shalt  }
0x52: {  	_ =	shalt  }
0x53: {  	_ =	shalt  }
0x54: {  	_ =	shalt  }
0x55: {  	_ =	shalt  }
0x56: {  	_ =	shalt  }
0x57: {  	_ =	shalt  }
0x58: {  	_ =	shalt  }
0x59: {  	_ =	shalt  }
0x5a: {  	_ =	shalt  }
0x5b: {  	_ =	shalt  }
0x5c: {  	_ =	shalt  }
0x5d: {  	_ =	shalt  }
0x5e: {  	_ =	shalt  }
0x5f: {  	_ =	shalt  }
0x60: {  	_ =	shalt  }
0x61: {  	_ =	shalt  }
0x62: {  	_ =	shalt  }
0x63: {  	_ =	shalt  }
0x64: {  	_ =	shalt  }
0x65: {  	_ =	shalt  }
0x66: {  	_ =	shalt  }
0x67: {  	_ =	shalt  }
0x68: {  	_ =	shalt  }
0x69: {  	_ =	shalt  }
0x6a: {  	_ =	shalt  }
0x6b: {  	_ =	shalt  }
0x6c: {  	_ =	shalt  }
0x6d: {  	_ =	shalt  }
0x6e: {  	_ =	shalt  }
0x6f: {  	_ =	shalt  }
0x70: {  	_ =	shalt  }
0x71: {  	_ =	shalt  }
0x72: {  	_ =	shalt  }
0x73: {  	_ =	shalt  }
0x74: {  	_ =	shalt  }
0x75: {  	_ =	shalt  }
0x76: {  	_ =	shalt  }
0x77: {  	_ =	shalt  }
0x78: {  	_ =	shalt  }
0x79: {  	_ =	shalt  }
0x7a: {  	_ =	shalt  }
0x7b: {  	_ =	shalt  }
0x7c: {  	_ =	shalt  }
0x7d: {  	_ =	shalt  }
0x7e: {  	_ =	shalt  }
0x7f: {  	_ =	shalt  }
0x80: {  	_ =	shalt  }
0x81: {  	_ =	shalt  }
0x82: {  	_ =	shalt  }
0x83: {  	_ =	shalt  }
0x84: {  	_ =	shalt  }
0x85: {  	_ =	shalt  }
0x86: {  	_ =	shalt  }
0x87: {  	_ =	shalt  }
.Lfunc_end0:
.L_simem_size_0:
called_computation_lowered:
.L_overlay_start_0:
0x88: {  	s2 =	sld [smem:$0x3FD9]  }
0x89: {  	s3 =	sld [smem:$0x3FFE];
	_ =	sdelay $0x1  }
0x8a: {  	s1 =	srdreg.scid  }
0x8b: {  	s0 =	sand.u32 $0x1, s1  }
0x8c: {  	s17 =	sshll.u32 s0, $0xA;
	s2 =	sadd.s32 s3, s2  }
0x8d: {  	s2 =	sadd.s32 s2, s17  }
0x8e: {  	[smem:$0x3FC0] =	sst s2  }
0x8f: {  	_ = 	snop  }
0x90: {  	s2 =	sld [smem:$0x3FC9];
	(tm) =	ssettm $0x1  }
0x91: {  	s18 =	sld [smem:$0x3FFB];
	_ =	sdelay $0x3  }
0x92: {  	_ =	strace s18  }
0x93: {  	s3 =	sld [smem:$0x3FFC];
	_ =	sdelay $0x3  }
0x94: {  	_ =	strace s3  }
0x95: {  	s3 =	sld [smem:$0x3FFD];
	_ =	sdelay $0x3  }
0x96: {  	_ =	strace s3  }
0x97: {  	_ =	strace $0x8FFFFFFF  }
0x98: {  	s19 =	sld [smem:$0x3FDB];
	_ =	sdelay $0x1  }
0x99: {  	s4 =	simm.s32 $_scs_section_size  }
0x9a: {  	s5 =	simm.s32 $_size__tile_overlayer_lowered;
	s6 =	simm.s32 $_tile_overlayer_lowered  }
0x9b: {  	s22 =	simm.s32 $0x1BFF;
	s21 =	sshll.u32 s6, $0x1;
	s3 =	sadd.s32 s4, s19  }
0x9c: {  	s7 =	simm.s32 $0x0;
	s20 =	sshll.u32 s5, $0x1;
	s5 =	sadd.s32 s21, s3  }
0x9d: {  	[timem:s7], [sflag:s22] =	dma.local [hbm:s5], s20  }
0x9e: {  	_ =	swait.ge [sflag:s22], s20  }
0x9f: {  	s4 =	ssub.s32 $0x0, s20;
	[sflag:s22] =	ssyncset.done $0x0  }
0xa0: {  	[sflag:s22] =	ssyncadd.s32 s4;
	_ =	sdelay $0x1  }
0xa1: {  	s23 =	simm.s32 $0x1B8B  }
0xa2: {  	_ =	swait.ge [sflag:s23], $0x1  }
0xa3: {  	[sflag:s23] =	ssyncset.done $0x0  }
0xa4: {  	s25 =	simm.s32 $0x1B8E;
	s24 =	sld [smem:$0x3FFE];
	[sflag:s23] =	ssyncadd.s32 $0xFFFFFFFF  }
0xa5: {  	s26 =	simm.s32 $execute0_lowered;
	[smem:$0x3FD2] =	sst s25  }
0xa6: {  	s5 =	sshll.u32 s26, $0x1;
	_ =	strace $0x80000046;
	[dreg:$0x1] =	wrdreg $0xFFFFFFFF  }
0xa7: {  	s28 =	simm.s32 $_size_execute0_lowered;
	s3 =	sadd.s32 s3, s5;
	[dreg:$0x0] =	wrdreg $0x0  }
0xa8: {  	s5 =	sshll.u32 s28, $0x1;
	[dreg:$0x2] =	wrdreg s3  }
0xa9: {  	[dreg:$0x3] =	wrdreg s5  }
0xaa: {  	[dreg:$0x4] =	wrdreg $0xC0  }
0xab: {  	_ =	task [dreg:s7], $0x5FFFF  }
0xac: {  	[dreg:$0x1] =	wrdreg $0xFFFFFFFF  }
0xad: {  	[dreg:$0x0] =	wrdreg $0x60  }
0xae: {  	[dreg:$0x2] =	wrdreg s24  }
0xaf: {  	[dreg:$0x3] =	wrdreg s2  }
0xb0: {  	[dreg:$0x4] =	wrdreg $0x9  }
0xb1: {  	_ =	task.clear_ibuf [dreg:s7], $0x5FFFF;
	_ =	strace $0x90000046  }
0xb2: {  	s29 =	simm.s32 $0x9;
	_ =	strace $0x80000048  }
0xb3: {  	_ =	swait.ge [sflag:s29], $0x1  }
0xb4: {  	[sflag:s29] =	ssyncadd.s32 $0xFFFFFFFF  }
0xb5: {  	_ =	strace $0x90000048  }
0xb6: {  	_ =	sfence  }
0xb7: {  	s30 =	sld [smem:$0x0];
	_ =	sdelay $0x2  }
0xb8: {  	s31 =	sshll.u32 s1, $0xD;
	s1 =	sshrl.u32 s1, $0x2  }
0xb9: {  	s3 =	sand.u32 $0x4000, s31;
	s1 =	sadd.s32 s1, s30  }
0xba: {  	s0 =	sor.u32 s3, s0;
	s1 =	sshll.u32 s1, $0x11  }
0xbb: {  	s0 =	sor.u32 s1, s0  }
0xbc: {  	s0 =	sadd.s32 $0x8F2B, s0  }
0xbd: {  	[sflag:s0] =	ssyncadd.remote.s32 $0x1  }
0xbe: {  	_ =	sfence.sel $0xFFFF  }
0xbf: {  	[dreg:$0x0] =	wrdreg $0xFFFFFFFF;
	(pc) =	sbr.abs _section_cstart, $3  }
0xc0: {  	[dreg:$0x1] =	wrdreg $0xFFFFFFFF  }
0xc1: {  	_ =	task.clear_ibuf [dreg:s7], $0x2FFFF;
	_ =	strace $0x9FFFFFFF  }
0xc2: {  	(tm) =	ssettm $0x7FFFFFFF  }
0xc3: {  	_ =	shalt  }
tec
execute0_lowered:
.L_overlay_start_1:
0x0: {  	(tag) =	ssettag $0x1  }
0x1: {  	s4 =	rddreg [dreg:$0x0];
	s1 =	srdreg.scid  }
0x2: {  	s0 =	stileid.u32;
	s6 =	rddreg [dreg:$0x1]  }
0x3: {  	s2 =	simm.s32 $0x0;
	s13 =	simm.s32 $0x80;
	s14 =	simm.s32 $0x8000  }
0x4: {  	s15 =	simm.s32 $0x1;
	s16 =	simm.s32 $0x8080;
	s17 =	simm.s32 $0x0  }
0x5: {  	s9 =	sand.u32 $0x1, s1;
	s3 =	sshll.u32 s0, $0x1;
	[smem:$0x7FF] =	sst s2  }
0x6: {  	s31 =	sshll.u32 s0, $0xE;
	s5 =	sor.u32 s9, s3;
	_ =	strace $0x80000047  }
0x7: {  	s10 =	ssub.s32 $0x2, s9;
	s3 =	sadd.s32 $0x1800, s4;
	s9 =	sshll.u32 s9, $0xD  }
0x8: {  	s7 =	sshll.u32 s5, $0xA;
	s5 =	sshll.u32 s5, $0x1;
	s11 =	sshrl.u32 s10, $0x1  }
0x9: {  	s9 =	sor.u32 s9, s31;
	s8 =	sadd.s32 s7, s4;
	s12 =	sadd.s32 s5, s4  }
0xa: {  	s10 =	ssub.s32 s10, s11;
	s11 =	simm.s32 $0x2000;
	s4 =	sadd.s32 $0x889800, s8  }
0xb: {  	s6 =	sadd.s32 s6, s7;
	s5 =	sadd.s32 $0x881800, s8;
	s7 =	sadd.s32 $0x891800, s12  }
0xc: {  	v0 =	vimm.f32 $1.000000000e+00;
	v1 =	vlaneseq.u32;
	s8 =	smax.u32 s10, $0x1;
	s10 =	simm.s32 $0x2;
	s12 =	simm.s32 $0x4000  }
.LBB2_1:
0xd: {  	[tilespmem:s2], [sflag:$0x2] =	stream.linear.gather [hbm4b:s4+s2], $0x2000, $0x38;
	[tilespmem:$0x8100] =	vst v63  }
0xe: {  	_ =	swait.ge [sflag:s10], $0x2000  }
0xf: {  	[sflag:s10] =	ssyncset.done $0x0  }
0x10: {  	[sflag:s10] =	ssyncadd.s32 $0xFFFFE000  }
0x11: {  	[tilespmem:s11], [sflag:$0x2] =	stream.linear.gather [hbm4b:s5+s2], $0x2000, $0x38;
	[tilespmem:$0x8100] =	vst v63  }
0x12: {  	_ =	swait.ge [sflag:s10], $0x2000  }
0x13: {  	[sflag:s10] =	ssyncset.done $0x0  }
0x14: {  	[sflag:s10] =	ssyncadd.s32 $0xFFFFE000  }
0x15: {  	[tilespmem:s12], [sflag:$0x2] =	stream.linear.gather [hbm4b:s6+s2], $0x2000, $0x38;
	[tilespmem:$0x8100] =	vst v63  }
0x16: {  	_ =	swait.ge [sflag:s10], $0x2000  }
0x17: {  	[sflag:s10] =	ssyncset.done $0x0  }
0x18: {  	[sflag:s10] =	ssyncadd.s32 $0xFFFFE000  }
0x19: {  	[tilespmem:$0x8000] =	vst v0  }
0x1a: {  	[tilespmem:$0x8010] =	vst v0  }
0x1b: {  	[tilespmem:$0x8020] =	vst v0  }
0x1c: {  	[tilespmem:$0x8030] =	vst v0  }
0x1d: {  	[tilespmem:$0x8040] =	vst v0  }
0x1e: {  	[tilespmem:$0x8050] =	vst v0  }
0x1f: {  	[tilespmem:$0x8060] =	vst v0  }
0x20: {  	s20 =	simm.s32 $0x4040;
	[tilespmem:$0x8070] =	vst v0  }
0x21: {  	s18 =	simm.s32 $0x40;
	v2 =	vld [tilespmem:s20+$0xFFFFFFC0]  }
0x22: {  	s19 =	simm.s32 $0x2040;
	v3 =	vld [tilespmem:s18+$0xFFFFFFC0]  }
0x23: {  	v4 =	vld [tilespmem:s19+$0xFFFFFFC0];
	_ =	sdelay $0x2  }
0x24: {  	s22 =	sadd.s32 $0x0, s9  }
0x25: {  	s21 =	sadd.s32 $0x4000000, s22;
	v3 =	vshll.u32 v3, $0xD  }
0x26: {  	v5 =	vor.u32 s21, v1;
	vm0 =	vgt.f32 v2, $1.000000010e-01;
	v2 =	vadd.s32 v4, v3  }
0x27: {  	s21 =	simm.s32 $0x6040;
	v2 =	vsel vm0, v2, v5  }
0x28: {  	[tilespmem:s21+$0xFFFFFFC0] =	vst v2  }
0x29: {  	v2 =	vld [tilespmem:s19+$0xFFFFFFD0]  }
0x2a: {  	v3 =	vld [tilespmem:s18+$0xFFFFFFD0]  }
0x2b: {  	v4 =	vld [tilespmem:s20+$0xFFFFFFD0];
	_ =	sdelay $0x3  }
0x2c: {  	s23 =	sadd.s32 $0x4000010, s22;
	v3 =	vshll.u32 v3, $0xD  }
0x2d: {  	v5 =	vor.u32 s23, v1;
	vm10 =	vgt.f32 v4, $1.000000010e-01;
	v2 =	vadd.s32 v2, v3  }
0x2e: {  	v2 =	vsel vm10, v2, v5  }
0x2f: {  	[tilespmem:s21+$0xFFFFFFD0] =	vst v2  }
0x30: {  	v2 =	vld [tilespmem:s18+$0xFFFFFFE0]  }
0x31: {  	v3 =	vld [tilespmem:s19+$0xFFFFFFE0]  }
0x32: {  	v4 =	vld [tilespmem:s20+$0xFFFFFFE0];
	_ =	sdelay $0x3  }
0x33: {  	s26 =	sadd.s32 $0x4000020, s22;
	v2 =	vshll.u32 v2, $0xD  }
0x34: {  	vm11 =	vgt.f32 v4, $1.000000010e-01;
	v2 =	vadd.s32 v3, v2;
	v3 =	vor.u32 s26, v1  }
0x35: {  	v2 =	vsel vm11, v2, v3  }
0x36: {  	[tilespmem:s21+$0xFFFFFFE0] =	vst v2  }
0x37: {  	v2 =	vld [tilespmem:s18+$0xFFFFFFF0]  }
0x38: {  	v3 =	vld [tilespmem:s19+$0xFFFFFFF0]  }
0x39: {  	v4 =	vld [tilespmem:s20+$0xFFFFFFF0];
	_ =	sdelay $0x3  }
0x3a: {  	s28 =	sadd.s32 $0x4000030, s22;
	v2 =	vshll.u32 v2, $0xD  }
0x3b: {  	vm12 =	vgt.f32 v4, $1.000000010e-01;
	v2 =	vadd.s32 v3, v2;
	v3 =	vor.u32 s28, v1  }
0x3c: {  	v2 =	vsel vm12, v2, v3  }
0x3d: {  	[tilespmem:s21+$0xFFFFFFF0] =	vst v2  }
0x3e: {  	v2 =	vld [tilespmem:s18+$0x0]  }
0x3f: {  	v3 =	vld [tilespmem:s19+$0x0]  }
0x40: {  	v4 =	vld [tilespmem:s20+$0x0];
	_ =	sdelay $0x3  }
0x41: {  	s29 =	sadd.s32 $0x4000040, s22;
	v2 =	vshll.u32 v2, $0xD  }
0x42: {  	vm13 =	vgt.f32 v4, $1.000000010e-01;
	v2 =	vadd.s32 v3, v2;
	v3 =	vor.u32 s29, v1  }
0x43: {  	v2 =	vsel vm13, v2, v3  }
0x44: {  	[tilespmem:s21+$0x0] =	vst v2  }
0x45: {  	v2 =	vld [tilespmem:s18+$0x10]  }
0x46: {  	v3 =	vld [tilespmem:s19+$0x10]  }
0x47: {  	v4 =	vld [tilespmem:s20+$0x10];
	_ =	sdelay $0x3  }
0x48: {  	s30 =	sadd.s32 $0x4000050, s22;
	v2 =	vshll.u32 v2, $0xD  }
0x49: {  	vm14 =	vgt.f32 v4, $1.000000010e-01;
	v2 =	vadd.s32 v3, v2;
	v3 =	vor.u32 s30, v1  }
0x4a: {  	v2 =	vsel vm14, v2, v3  }
0x4b: {  	[tilespmem:s21+$0x10] =	vst v2  }
0x4c: {  	v2 =	vld [tilespmem:s18+$0x20]  }
0x4d: {  	v3 =	vld [tilespmem:s19+$0x20]  }
0x4e: {  	v4 =	vld [tilespmem:s20+$0x20];
	_ =	sdelay $0x3  }
0x4f: {  	s31 =	sadd.s32 $0x4000060, s22;
	v2 =	vshll.u32 v2, $0xD  }
0x50: {  	vm15 =	vgt.f32 v4, $1.000000010e-01;
	v2 =	vadd.s32 v3, v2;
	v3 =	vor.u32 s31, v1  }
0x51: {  	v2 =	vsel vm15, v2, v3  }
0x52: {  	[tilespmem:s21+$0x20] =	vst v2  }
0x53: {  	s24 =	simm.s32 $0x40C0;
	v2 =	vld [tilespmem:s18+$0x30]  }
0x54: {  	s25 =	sadd.s32 $0x4000070, s22;
	s22 =	simm.s32 $0x6040;
	s23 =	simm.s32 $0x80;
	v3 =	vld [tilespmem:s19+$0x30]  }
.LBB2_2:
0x55: {  	v4 =	vld [tilespmem:s20+$0x30];
	s19 =	sadd.s32 $0x80, s19;
	s18 =	sadd.s32 $0x80, s18;
	s21 =	sadd.s32 $0x80, s21  }
0x56: {  	p0 =	sne.s32 s23, $0x1F80;
	s26 =	smov.u32 s23;
	s23 =	sadd.s32 $0x80, s23  }
0x57: {  	s20 =	smov.u32 s24  }
0x58: {  	v2 =	vshll.u32 v2, $0xD  }
0x59: {  	v2 =	vadd.s32 v3, v2  }
0x5a: {  	v3 =	vor.u32 s25, v1;
	vm0 =	vgt.f32 v4, $1.000000010e-01  }
0x5b: {  	v2 =	vsel vm0, v2, v3  }
0x5c: {  	[tilespmem:s22+$0x30] =	vst v2;
	s22 =	smov.u32 s21  }
0x5d: {  	v2 =	vld [tilespmem:s24+$0xFFFFFFC0]  }
0x5e: {  	v3 =	vld [tilespmem:s18+$0xFFFFFFC0]  }
0x5f: {  	v4 =	vld [tilespmem:s19+$0xFFFFFFC0];
	_ =	sdelay $0x2  }
0x60: {  	s25 =	sadd.s32 s26, s9  }
0x61: {  	s26 =	sadd.s32 $0x4000000, s25;
	s30 =	sadd.s32 $0x4000010, s25;
	v3 =	vshll.u32 v3, $0xD  }
0x62: {  	s31 =	sadd.s32 $0x4000020, s25;
	s1 =	sadd.s32 $0x4000030, s25;
	v5 =	vor.u32 s26, v1;
	vm0 =	vgt.f32 v2, $1.000000010e-01;
	v2 =	vadd.s32 v4, v3  }
0x63: {  	s29 =	sadd.s32 $0x4000040, s25;
	s28 =	sadd.s32 $0x4000050, s25;
	v2 =	vsel vm0, v2, v5  }
0x64: {  	s26 =	sadd.s32 $0x4000060, s25;
	s25 =	sadd.s32 $0x4000070, s25;
	[tilespmem:s21+$0xFFFFFFC0] =	vst v2  }
0x65: {  	v2 =	vld [tilespmem:s19+$0xFFFFFFD0]  }
0x66: {  	v3 =	vld [tilespmem:s18+$0xFFFFFFD0]  }
0x67: {  	v4 =	vld [tilespmem:s24+$0xFFFFFFD0];
	_ =	sdelay $0x3  }
0x68: {  	v3 =	vshll.u32 v3, $0xD  }
0x69: {  	v5 =	vor.u32 s30, v1;
	vm0 =	vgt.f32 v4, $1.000000010e-01;
	v2 =	vadd.s32 v2, v3  }
0x6a: {  	v2 =	vsel vm0, v2, v5  }
0x6b: {  	[tilespmem:s21+$0xFFFFFFD0] =	vst v2  }
0x6c: {  	v2 =	vld [tilespmem:s18+$0xFFFFFFE0]  }
0x6d: {  	v3 =	vld [tilespmem:s19+$0xFFFFFFE0]  }
0x6e: {  	v4 =	vld [tilespmem:s24+$0xFFFFFFE0];
	_ =	sdelay $0x2  }
0x6f: {  	v2 =	vshll.u32 v2, $0xD  }
0x70: {  	v2 =	vadd.s32 v3, v2  }
0x71: {  	v3 =	vor.u32 s31, v1;
	vm0 =	vgt.f32 v4, $1.000000010e-01  }
0x72: {  	v2 =	vsel vm0, v2, v3  }
0x73: {  	[tilespmem:s21+$0xFFFFFFE0] =	vst v2  }
0x74: {  	v2 =	vld [tilespmem:s18+$0xFFFFFFF0]  }
0x75: {  	v3 =	vld [tilespmem:s19+$0xFFFFFFF0]  }
0x76: {  	v4 =	vld [tilespmem:s24+$0xFFFFFFF0];
	_ =	sdelay $0x2  }
0x77: {  	v2 =	vshll.u32 v2, $0xD  }
0x78: {  	v2 =	vadd.s32 v3, v2  }
0x79: {  	v3 =	vor.u32 s1, v1;
	vm0 =	vgt.f32 v4, $1.000000010e-01  }
0x7a: {  	v2 =	vsel vm0, v2, v3  }
0x7b: {  	[tilespmem:s21+$0xFFFFFFF0] =	vst v2  }
0x7c: {  	v2 =	vld [tilespmem:s18+$0x0]  }
0x7d: {  	v3 =	vld [tilespmem:s19+$0x0]  }
0x7e: {  	v4 =	vld [tilespmem:s24+$0x0];
	_ =	sdelay $0x2  }
0x7f: {  	v2 =	vshll.u32 v2, $0xD  }
0x80: {  	v2 =	vadd.s32 v3, v2  }
0x81: {  	v3 =	vor.u32 s29, v1;
	vm0 =	vgt.f32 v4, $1.000000010e-01  }
0x82: {  	v2 =	vsel vm0, v2, v3  }
0x83: {  	[tilespmem:s21+$0x0] =	vst v2  }
0x84: {  	v2 =	vld [tilespmem:s18+$0x10]  }
0x85: {  	v3 =	vld [tilespmem:s19+$0x10]  }
0x86: {  	v4 =	vld [tilespmem:s24+$0x10];
	_ =	sdelay $0x2  }
0x87: {  	v2 =	vshll.u32 v2, $0xD  }
0x88: {  	v2 =	vadd.s32 v3, v2  }
0x89: {  	v3 =	vor.u32 s28, v1;
	vm0 =	vgt.f32 v4, $1.000000010e-01  }
0x8a: {  	v2 =	vsel vm0, v2, v3  }
0x8b: {  	[tilespmem:s21+$0x10] =	vst v2  }
0x8c: {  	v2 =	vld [tilespmem:s18+$0x20]  }
0x8d: {  	v3 =	vld [tilespmem:s19+$0x20]  }
0x8e: {  	v4 =	vld [tilespmem:s24+$0x20];
	_ =	sdelay $0x2  }
0x8f: {  	v2 =	vshll.u32 v2, $0xD  }
0x90: {  	v2 =	vadd.s32 v3, v2  }
.Ltmp0:
0x91: {  	v3 =	vor.u32 s26, v1;
	vm0 =	vgt.f32 v4, $1.000000010e-01;
	(pc) =	sbr.rel @p0 .LBB2_2-.Ltmp0, $4  }
0x92: {  	v2 =	vsel vm0, v2, v3  }
0x93: {  	[tilespmem:s21+$0x20] =	vst v2  }
0x94: {  	v2 =	vld [tilespmem:s18+$0x30]  }
0x95: {  	s24 =	sadd.s32 $0x80, s24;
	v3 =	vld [tilespmem:s19+$0x30]  }
0x96: {  	v4 =	vld [tilespmem:s20+$0x30];
	_ =	sdelay $0x3  }
0x97: {  	v2 =	vshll.u32 v2, $0xD  }
0x98: {  	v2 =	vadd.s32 v3, v2;
	v3 =	vor.u32 s25, v1;
	vm0 =	vgt.f32 v4, $1.000000010e-01  }
0x99: {  	v2 =	vsel vm0, v2, v3  }
0x9a: {  	s18 =	simm.s32 $0x0;
	[tilespmem:s22+$0x30] =	vst v2  }
.LBB2_4:
0x9b: {  	p0 =	sne.s32 s18, $0x7E00  }
.Ltmp1:
0x9c: {  	_ = 	snop;
	(pc) =	sbr.rel @p0 .LBB2_4-.Ltmp1, $4  }
0x9d: {  	_ = 	snop  }
0x9e: {  	s1 =	sshra.s32 s18, $0x2  }
0x9f: {  	s18 =	sadd.s32 $0x200, s18;
	s1 =	sadd.s32 $0x6000, s1  }
0xa0: {  	[hbm4b:s3+s13] =	stream.indirect.scatter [tilespmem:s14], [sflag:$0x1], $0x1, s1, s13, $0xb8;
	[tilespmem:$0x8100] =	vst v63  }
0xa1: {  	_ =	swait.ge [sflag:s15], $0x80  }
0xa2: {  	s18 =	simm.s32 $0x3F;
	[sflag:s15] =	ssyncset.done $0x0  }
.LBB2_6:
0xa3: {  	p0 =	sne.s32 s18, $0x1;
	s18 =	sadd.s32 $0xFFFFFFFF, s18;
	[sflag:s15] =	ssyncadd.s32 $0xFFFFFF80  }
.Ltmp2:
0xa4: {  	(pc) =	sbr.rel @p0 .LBB2_6-.Ltmp2, $3  }
0xa5: {  	_ =	sdelay $0x1  }
0xa6: {  	_ =	swait.ge [sflag:s15], $0x80  }
0xa7: {  	[sflag:s15] =	ssyncset.done $0x0  }
0xa8: {  	s17 =	sadd.s32 $0x1, s17  }
0xa9: {  	[sflag:s15] =	ssyncadd.s32 $0xFFFFFF80;
	p0 =	sne.s32 s17, s8  }
.Ltmp3:
0xaa: {  	[tilespmem:$0x8080] =	vst v0;
	(pc) =	sbr.rel @p0 .LBB2_1-.Ltmp3, $4  }
0xab: {  	[hbm4b:s7+s2] =	stream.linear.scatter [tilespmem:s16], [sflag:$0x2], $0x10, $0x38;
	[tilespmem:$0x8100] =	vst v63  }
0xac: {  	_ =	swait.ge [sflag:s10], $0x10  }
0xad: {  	[sflag:s10] =	ssyncset.done $0x0  }
0xae: {  	[sflag:s10] =	ssyncadd.s32 $0xFFFFFFF0  }
0xaf: {  	_ =	sfence.sel $0x180000  }
0xb0: {  	[bflag:$0x0] =	sbarrier.arrive $0xFFFF  }
0xb1: {  	_ =	strace $0x90000047  }
0xb2: {  	[bflag:$0x2] =	sbarrier.arrive $0xFFFF  }
0xb3: {  	p0 =	sne.s32 s0, $0x0;
	s0 =	rddreg [dreg:$0x2]  }
0xb4: {  	s0 =	sadd.s32 @!p0 $0x100000, s0  }
0xb5: {  	[sflag:s0] =	ssyncadd.tile.s32 @!p0 $0x1;
	_ =	shalt  }
.Lfunc_end2:
_tile_overlayer_lowered:
.L_overlay_start_2:
0xb6: {  	(tag) =	ssettag $0x2  }
0xb7: {  	s0 =	rddreg [dreg:$0x0];
	s2 =	stileid.u32  }
0xb8: {  	s1 =	rddreg [dreg:$0x1];
	p0 =	sne.s32 s2, $0x0  }
0xb9: {  	s3 =	rddreg [dreg:$0x2];
	[bflag:$0x3] =	sbarrier.arrive $0xFFFF;
	s2 =	simm.s32 @!p0 $0x1C02  }
0xba: {  	[timem:s3], [sflag:s2] =	dma.local @!p0 [hbm:s0], s1  }
0xbb: {  	s0 =	simm.s32 @!p0 $0x2  }
0xbc: {  	_ =	swait.ge @!p0 [sflag:s0], s1  }
0xbd: {  	s1 =	ssub.s32 @!p0 $0x0, s1;
	[sflag:s0] =	ssyncset.done @!p0 $0x0  }
0xbe: {  	[sflag:s0] =	ssyncadd.s32 @!p0 s1  }
0xbf: {  	[bflag:$0x3] =	sbarrier.arrive $0xFFFF  }
0xc0: {  	_ =	shalt  }

</sc_bundles>
